<compile_context>
chip_gen: v7x
topology: tpu7x:2x2x1
jax: 0.10.2.dev20260603
libtpu: 0.0.44.dev20260713+nightly
codegen_flags: <defaults>
</compile_context>

<pallas_src>
import functools

import jax
import jax.numpy as jnp
from jax import lax
from jax.experimental import pallas as pl
from jax.experimental.pallas import tpu as pltpu
from jax.experimental.pallas import tpu_sc as plsc

L = 16
NC, NS = 2, 16
N_NODES = 20000
N_TREES = 12
HW = 50176
CHUNKS = N_NODES // L
PIX_CHUNK = 12544
PIX_ITERS = PIX_CHUNK // L
N_PASSES = 4
EPS = 1e-6


def _sc_body(attrs_hbm, levels_hbm, parent_hbm, pix_hbm, thr_hbm, out_hbm,
             a_v, l_v, p_v, anc_v, f_v, thr_v, pix_v, o_v):
    c = lax.axis_index("c")
    s = lax.axis_index("s")
    wid = s * NC + c

    @pl.when(wid < N_TREES)
    def _():
        t = wid
        base = t * N_NODES
        pltpu.sync_copy(attrs_hbm.at[pl.ds(base, N_NODES)], a_v)
        pltpu.sync_copy(levels_hbm.at[pl.ds(base, N_NODES)], l_v)
        pltpu.sync_copy(parent_hbm.at[pl.ds(base, N_NODES)], p_v)
        pltpu.sync_copy(thr_hbm, thr_v)

        def mm_body(j, carry):
            mn, mx = carry
            av = a_v[pl.ds(j * L, L)]
            return jnp.minimum(mn, av), jnp.maximum(mx, av)

        first = a_v[pl.ds(0, L)]
        mn, mx = lax.fori_loop(1, CHUNKS, mm_body, (first, first))
        iota = lax.iota(jnp.int32, L)

        for k in (1, 2, 4, 8):
            perm = jnp.bitwise_xor(iota, k)
            mn = jnp.minimum(mn, jnp.take(mn, perm))
            mx = jnp.maximum(mx, jnp.take(mx, perm))
        amin = mn
        denom = jnp.maximum(mx - mn, EPS)
        thr_norm = (thr_v[...] - amin) / denom

        def init_body(j, _):
            av = a_v[pl.ds(j * L, L)]
            logits = (av - amin) / denom - thr_norm
            g = logits >= 0.0
            pv = p_v[pl.ds(j * L, L)]
            anc_v[pl.ds(j * L, L)] = jnp.where(g, iota + j * L, pv)
            return 0

        lax.fori_loop(0, CHUNKS, init_body, 0)

        def jump_body(j, _):
            cur = anc_v[pl.ds(j * L, L)]
            anc_v[pl.ds(j * L, L)] = plsc.load_gather(anc_v, [cur])
            return 0

        for _ in range(N_PASSES):
            lax.fori_loop(0, CHUNKS, jump_body, 0)

        def filt_body(j, _):
            cur = anc_v[pl.ds(j * L, L)]
            f_v[pl.ds(j * L, L)] = plsc.load_gather(l_v, [cur])
            return 0

        lax.fori_loop(0, CHUNKS, filt_body, 0)

        pbase = t * HW
        for cb in range(HW // PIX_CHUNK):
            off = pbase + cb * PIX_CHUNK
            pltpu.sync_copy(pix_hbm.at[pl.ds(off, PIX_CHUNK)], pix_v)

            def pix_body(j, _):
                pv = pix_v[pl.ds(j * L, L)]
                o_v[pl.ds(j * L, L)] = plsc.load_gather(f_v, [pv])
                return 0

            lax.fori_loop(0, PIX_ITERS, pix_body, 0)
            pltpu.sync_copy(o_v, out_hbm.at[pl.ds(off, PIX_CHUNK)])


_SC_CALL = None


def _get_sc_call():
    global _SC_CALL
    if _SC_CALL is None:
        mesh = plsc.VectorSubcoreMesh(
            core_axis_name="c", subcore_axis_name="s",
            num_cores=NC, num_subcores=NS)
        _SC_CALL = pl.kernel(
            _sc_body,
            out_type=jax.ShapeDtypeStruct((N_TREES * HW,), jnp.float32),
            mesh=mesh,
            compiler_params=pltpu.CompilerParams(needs_layout_passes=False),
            scratch_types=[
                pltpu.VMEM((N_NODES,), jnp.float32),
                pltpu.VMEM((N_NODES,), jnp.float32),
                pltpu.VMEM((N_NODES,), jnp.int32),
                pltpu.VMEM((N_NODES,), jnp.int32),
                pltpu.VMEM((N_NODES,), jnp.float32),
                pltpu.VMEM((L,), jnp.float32),
                pltpu.VMEM((PIX_CHUNK,), jnp.int32),
                pltpu.VMEM((PIX_CHUNK,), jnp.float32),
            ],
        )
    return _SC_CALL


def kernel(x, attrs, levels, parent, pixel_node, thr_raw):
    B, C, H, W = x.shape
    thr16 = jnp.broadcast_to(
        thr_raw.reshape(()).astype(jnp.float32), (L,))
    out = _get_sc_call()(
        attrs.reshape(-1), levels.reshape(-1), parent.reshape(-1),
        pixel_node.reshape(-1), thr16)
    return out.reshape(B, C, H, W)

# --- scband reference (transcript-rebuilt; emitter-appended) ---
"""Pipeline reference for scband-connected-threshold-layer-29884382446232 (READ-ONLY COPY).

The authoritative reference and input builder live on the scoring server;
editing this copy changes nothing except your own understanding.
"""

import jax, jax.numpy as jnp
import numpy as np

EPS = 1e-06
N_DOUBLING = 20  # covers ancestor chains up to 2^20 (synthetic trees have depth ~O(log N))


def setup_inputs(seed: int = 0) -> dict:
    key = jax.random.key(seed)
    ks = jax.random.split(key, 6)
    B, C, H, W = 4, 3, 224, 224
    NI = B * C          # number of (image, channel) trees
    N = 20000           # nodes per morphological tree
    x = jax.random.uniform(ks[0], (B, C, H, W), dtype=jnp.float32)
    # per-tree node attributes (e.g. AREA-like, positive) and node gray levels
    attrs = jax.random.uniform(ks[1], (NI, N), dtype=jnp.float32) * 1000.0
    levels = jax.random.uniform(ks[2], (NI, N), dtype=jnp.float32) * 255.0
    # synthetic max-tree structure: parent[i] < i, parent[0] == 0 (root)
    rng = np.random.RandomState(0)
    parent_np = np.zeros((NI, N), dtype=np.int32)
    for t in range(NI):
        for i in range(1, N):
            parent_np[t, i] = rng.randint(0, i)
    parent = jnp.asarray(parent_np)
    # pixel -> tree-node mapping (small-index mapping like real max-trees)
    pixel_node = jax.random.randint(ks[3], (NI, H * W), 0, N, dtype=jnp.int32)
    # learnable raw threshold parameter (one group: AREA), initialized near attr median
    thr_raw = jnp.asarray([500.0], dtype=jnp.float32)
    return {"x": x, "attrs": attrs, "levels": levels, "parent": parent,
            "pixel_node": pixel_node, "thr_raw": thr_raw}


def _filter_one_tree(a1, lev, par, pix, thr_raw):
    # minmax01 per-tree scaling of attribute and threshold (same statistics)
    amin = jnp.min(a1)
    amax = jnp.max(a1)
    denom = jnp.maximum(amax - amin, EPS)
    a_scaled = (a1 - amin) / denom
    thr_norm = (thr_raw.reshape(()) - amin) / denom
    logits = a_scaled - thr_norm
    sig = jax.nn.sigmoid(logits)
    g_hard = (sig >= 0.5).astype(jnp.float32)
    # straight-through gate: hard in forward, sigmoid in backward (matches custom Function)
    g = g_hard + sig - jax.lax.stop_gradient(sig)
    g = g.at[0].set(1.0)  # root is always kept in connected filtering
    # connected filter: filtered[i] = g[i]*lev[i] + (1-g[i])*filtered[parent[i]]
    # solved by pointer-doubling over the ancestor chain (associative composition)
    v = g * lev
    t = 1.0 - g
    p = par
    for _ in range(N_DOUBLING):
        v = v + t * v[p]
        t = t * t[p]
        p = p[p]
    return v[pix]


def reference(x, attrs, levels, parent, pixel_node, thr_raw):
    B, C, H, W = x.shape
    per_img = jax.vmap(lambda a, l, p, px: _filter_one_tree(a, l, p, px, thr_raw))
    outs = per_img(attrs, levels, parent, pixel_node)  # (B*C, H*W)
    return outs.reshape(B, C, H, W)

if __name__ == "__main__":
    import jax
    _d = setup_inputs()
    print(jax.jit(kernel)(*tuple(_d.values())))

</pallas_src>

<mosaic_0001>
#map = affine_map<(d0, d1) -> (0)>
module attributes {stable_mosaic.version = 14 : i64} {
  func.func @_sc_body(%arg0: i32, %arg1: i32, %arg2: memref<240000xf32, #tpu.memory_space<hbm>>, %arg3: memref<240000xf32, #tpu.memory_space<hbm>>, %arg4: memref<240000xi32, #tpu.memory_space<hbm>>, %arg5: memref<602112xi32, #tpu.memory_space<hbm>>, %arg6: memref<16xf32, #tpu.memory_space<hbm>>, %arg7: memref<602112xf32, #tpu.memory_space<hbm>>, %arg8: memref<20000xf32, #tpu.memory_space<vmem>>, %arg9: memref<20000xf32, #tpu.memory_space<vmem>>, %arg10: memref<20000xi32, #tpu.memory_space<vmem>>, %arg11: memref<20000xi32, #tpu.memory_space<vmem>>, %arg12: memref<20000xf32, #tpu.memory_space<vmem>>, %arg13: memref<16xf32, #tpu.memory_space<vmem>>, %arg14: memref<12544xi32, #tpu.memory_space<vmem>>, %arg15: memref<12544xf32, #tpu.memory_space<vmem>>) attributes {dimension_semantics = [#tpu.dimension_semantics<core_parallel>, #tpu.dimension_semantics<subcore_parallel>], iteration_bounds = array<i64: 2, 16>, scalar_prefetch = 0 : i64, scratch_operands = 8 : i64, tpu.core_type = #tpu.core_type<sc_vector_subcore>, window_params = [{transform_indices = #map}, {transform_indices = #map}, {transform_indices = #map}, {transform_indices = #map}, {transform_indices = #map}, {transform_indices = #map}]} {
    %mul3A = arith.constant 2 : i32
    %mul3A_0 = arith.muli %arg1, %mul3A : i32
    %add3A = arith.addi %mul3A_0, %arg0 : i32
    %lt3A = arith.constant 12 : i32
    %lt3A_1 = arith.cmpi slt, %add3A, %lt3A : i32
    %convert_element_type3A = arith.extui %lt3A_1 : i1 to i32
    %cond3A = arith.constant 0 : i32
    %cond3A_2 = arith.cmpi ne, %convert_element_type3A, %cond3A : i32
    scf.if %cond3A_2 {
      %mul3A_3 = arith.constant 20000 : i32
      %mul3A_4 = arith.muli %add3A, %mul3A_3 : i32
      "tpu.region"() ({
        %run_scoped3A = tpu.sem_alloc : memref<!tpu.dma_semaphore, #tpu.memory_space<semaphore_mem>>
        %dma_start3A = tpu.memref_slice %arg2[%mul3A_4] : memref<240000xf32, #tpu.memory_space<hbm>> -> memref<20000xf32, #tpu.memory_space<hbm>>
        %dma_start3A_191 = tpu.memref_slice %arg2[%mul3A_4] : memref<240000xf32, #tpu.memory_space<hbm>> -> memref<20000xf32, #tpu.memory_space<hbm>>
        tpu.enqueue_dma source(%dma_start3A_191 : memref<20000xf32, #tpu.memory_space<hbm>>) target(%arg8 : memref<20000xf32, #tpu.memory_space<vmem>>) target_semaphore(%run_scoped3A : memref<!tpu.dma_semaphore, #tpu.memory_space<semaphore_mem>>)
        %dma_wait3A = tpu.memref_slice %arg2[%mul3A_4] : memref<240000xf32, #tpu.memory_space<hbm>> -> memref<20000xf32, #tpu.memory_space<hbm>>
        %dma_wait3A_192 = tpu.memref_slice %arg2[%mul3A_4] : memref<240000xf32, #tpu.memory_space<hbm>> -> memref<20000xf32, #tpu.memory_space<hbm>>
        tpu.wait_dma2 semaphore(%run_scoped3A : memref<!tpu.dma_semaphore, #tpu.memory_space<semaphore_mem>>) src(%dma_wait3A_192 : memref<20000xf32, #tpu.memory_space<hbm>>) dst(%arg8 : memref<20000xf32, #tpu.memory_space<vmem>>)
        tpu.yield
      }) : () -> ()
      "tpu.region"() ({
        %run_scoped3A = tpu.sem_alloc : memref<!tpu.dma_semaphore, #tpu.memory_space<semaphore_mem>>
        %dma_start3A = tpu.memref_slice %arg3[%mul3A_4] : memref<240000xf32, #tpu.memory_space<hbm>> -> memref<20000xf32, #tpu.memory_space<hbm>>
        %dma_start3A_191 = tpu.memref_slice %arg3[%mul3A_4] : memref<240000xf32, #tpu.memory_space<hbm>> -> memref<20000xf32, #tpu.memory_space<hbm>>
        tpu.enqueue_dma source(%dma_start3A_191 : memref<20000xf32, #tpu.memory_space<hbm>>) target(%arg9 : memref<20000xf32, #tpu.memory_space<vmem>>) target_semaphore(%run_scoped3A : memref<!tpu.dma_semaphore, #tpu.memory_space<semaphore_mem>>)
        %dma_wait3A = tpu.memref_slice %arg3[%mul3A_4] : memref<240000xf32, #tpu.memory_space<hbm>> -> memref<20000xf32, #tpu.memory_space<hbm>>
        %dma_wait3A_192 = tpu.memref_slice %arg3[%mul3A_4] : memref<240000xf32, #tpu.memory_space<hbm>> -> memref<20000xf32, #tpu.memory_space<hbm>>
        tpu.wait_dma2 semaphore(%run_scoped3A : memref<!tpu.dma_semaphore, #tpu.memory_space<semaphore_mem>>) src(%dma_wait3A_192 : memref<20000xf32, #tpu.memory_space<hbm>>) dst(%arg9 : memref<20000xf32, #tpu.memory_space<vmem>>)
        tpu.yield
      }) : () -> ()
      "tpu.region"() ({
        %run_scoped3A = tpu.sem_alloc : memref<!tpu.dma_semaphore, #tpu.memory_space<semaphore_mem>>
        %dma_start3A = tpu.memref_slice %arg4[%mul3A_4] : memref<240000xi32, #tpu.memory_space<hbm>> -> memref<20000xi32, #tpu.memory_space<hbm>>
        %dma_start3A_191 = tpu.memref_slice %arg4[%mul3A_4] : memref<240000xi32, #tpu.memory_space<hbm>> -> memref<20000xi32, #tpu.memory_space<hbm>>
        tpu.enqueue_dma source(%dma_start3A_191 : memref<20000xi32, #tpu.memory_space<hbm>>) target(%arg10 : memref<20000xi32, #tpu.memory_space<vmem>>) target_semaphore(%run_scoped3A : memref<!tpu.dma_semaphore, #tpu.memory_space<semaphore_mem>>)
        %dma_wait3A = tpu.memref_slice %arg4[%mul3A_4] : memref<240000xi32, #tpu.memory_space<hbm>> -> memref<20000xi32, #tpu.memory_space<hbm>>
        %dma_wait3A_192 = tpu.memref_slice %arg4[%mul3A_4] : memref<240000xi32, #tpu.memory_space<hbm>> -> memref<20000xi32, #tpu.memory_space<hbm>>
        tpu.wait_dma2 semaphore(%run_scoped3A : memref<!tpu.dma_semaphore, #tpu.memory_space<semaphore_mem>>) src(%dma_wait3A_192 : memref<20000xi32, #tpu.memory_space<hbm>>) dst(%arg10 : memref<20000xi32, #tpu.memory_space<vmem>>)
        tpu.yield
      }) : () -> ()
      "tpu.region"() ({
        %run_scoped3A = tpu.sem_alloc : memref<!tpu.dma_semaphore, #tpu.memory_space<semaphore_mem>>
        tpu.enqueue_dma source(%arg6 : memref<16xf32, #tpu.memory_space<hbm>>) target(%arg13 : memref<16xf32, #tpu.memory_space<vmem>>) target_semaphore(%run_scoped3A : memref<!tpu.dma_semaphore, #tpu.memory_space<semaphore_mem>>)
        tpu.wait_dma2 semaphore(%run_scoped3A : memref<!tpu.dma_semaphore, #tpu.memory_space<semaphore_mem>>) src(%arg6 : memref<16xf32, #tpu.memory_space<hbm>>) dst(%arg13 : memref<16xf32, #tpu.memory_space<vmem>>)
        tpu.yield
      }) : () -> ()
      %get3A = arith.constant 0 : index
      %get3A_5 = tpu.vector_load %arg8[%get3A] {strides = array<i32>} : memref<20000xf32, #tpu.memory_space<vmem>>, vector<16xf32>,
      %scan3A = arith.constant 1 : i32
      %scan3A_6 = arith.constant 1249 : i32
      %scan3A_7 = arith.addi %scan3A, %scan3A_6 : i32
      %scan3A_8 = arith.constant 1 : i32
      %scan3A_9:2 = scf.for %scan3A_191 = %scan3A to %scan3A_7 step %scan3A_8 iter_args(%scan3A_192 = %get3A_5, %scan3A_193 = %get3A_5) -> (vector<16xf32>, vector<16xf32>)  : i32 {
        %mul3A_194 = arith.constant 16 : i32
        %mul3A_195 = arith.muli %scan3A_191, %mul3A_194 : i32
        %get3A_196 = arith.index_cast %mul3A_195 : i32 to index
        %get3A_197 = tpu.vector_load %arg8[%get3A_196] {strides = array<i32>} : memref<20000xf32, #tpu.memory_space<vmem>>, vector<16xf32>,
        %min3A_198 = arith.minimumf %scan3A_192, %get3A_197 : vector<16xf32>
        %max3A_199 = arith.maximumf %scan3A_193, %get3A_197 : vector<16xf32>
        scf.yield %min3A_198, %max3A_199 : vector<16xf32>, vector<16xf32>
      }
      %scan3A_10 = arith.constant 1249 : i32
      %iota3A = tpu.iota {dimensions = array<i32: 0>} : vector<16xi32>
      %xor3A = arith.constant 1 : i32
      %xor3A_11 = vector.broadcast %xor3A : i32 to vector<16xi32>
      %xor3A_12 = arith.xori %iota3A, %xor3A_11 : vector<16xi32>
      %lt3A_13 = arith.constant 0 : i32
      %lt3A_14 = vector.broadcast %lt3A_13 : i32 to vector<16xi32>
      %lt3A_15 = arith.cmpi slt, %xor3A_12, %lt3A_14 : vector<16xi32>
      %add3A_16 = arith.constant 16 : i32
      %add3A_17 = vector.broadcast %add3A_16 : i32 to vector<16xi32>
      %add3A_18 = arith.addi %xor3A_12, %add3A_17 : vector<16xi32>
      %select_n3A = arith.select %lt3A_15, %add3A_18, %xor3A_12 : vector<16xi1>, vector<16xi32>
      %broadcast_in_dim3A = vector.shape_cast %select_n3A : vector<16xi32> to vector<16x1xi32>
      %gather3A = vector.shape_cast %broadcast_in_dim3A : vector<16x1xi32> to vector<16xi32>
      %gather3A_19 = tpu.dynamic_gather %scan3A_9#0[%gather3A] in [0] : vector<16xf32>, vector<16xi32> -> vector<16xf32>
      %min3A = arith.minimumf %scan3A_9#0, %gather3A_19 : vector<16xf32>
      %lt3A_20 = arith.constant 0 : i32
      %lt3A_21 = vector.broadcast %lt3A_20 : i32 to vector<16xi32>
      %lt3A_22 = arith.cmpi slt, %xor3A_12, %lt3A_21 : vector<16xi32>
      %add3A_23 = arith.constant 16 : i32
      %add3A_24 = vector.broadcast %add3A_23 : i32 to vector<16xi32>
      %add3A_25 = arith.addi %xor3A_12, %add3A_24 : vector<16xi32>
      %select_n3A_26 = arith.select %lt3A_22, %add3A_25, %xor3A_12 : vector<16xi1>, vector<16xi32>
      %broadcast_in_dim3A_27 = vector.shape_cast %select_n3A_26 : vector<16xi32> to vector<16x1xi32>
      %gather3A_28 = vector.shape_cast %broadcast_in_dim3A_27 : vector<16x1xi32> to vector<16xi32>
      %gather3A_29 = tpu.dynamic_gather %scan3A_9#1[%gather3A_28] in [0] : vector<16xf32>, vector<16xi32> -> vector<16xf32>
      %max3A = arith.maximumf %scan3A_9#1, %gather3A_29 : vector<16xf32>
      %xor3A_30 = arith.constant 2 : i32
      %xor3A_31 = vector.broadcast %xor3A_30 : i32 to vector<16xi32>
      %xor3A_32 = arith.xori %iota3A, %xor3A_31 : vector<16xi32>
      %lt3A_33 = arith.constant 0 : i32
      %lt3A_34 = vector.broadcast %lt3A_33 : i32 to vector<16xi32>
      %lt3A_35 = arith.cmpi slt, %xor3A_32, %lt3A_34 : vector<16xi32>
      %add3A_36 = arith.constant 16 : i32
      %add3A_37 = vector.broadcast %add3A_36 : i32 to vector<16xi32>
      %add3A_38 = arith.addi %xor3A_32, %add3A_37 : vector<16xi32>
      %select_n3A_39 = arith.select %lt3A_35, %add3A_38, %xor3A_32 : vector<16xi1>, vector<16xi32>
      %broadcast_in_dim3A_40 = vector.shape_cast %select_n3A_39 : vector<16xi32> to vector<16x1xi32>
      %gather3A_41 = vector.shape_cast %broadcast_in_dim3A_40 : vector<16x1xi32> to vector<16xi32>
      %gather3A_42 = tpu.dynamic_gather %min3A[%gather3A_41] in [0] : vector<16xf32>, vector<16xi32> -> vector<16xf32>
      %min3A_43 = arith.minimumf %min3A, %gather3A_42 : vector<16xf32>
      %lt3A_44 = arith.constant 0 : i32
      %lt3A_45 = vector.broadcast %lt3A_44 : i32 to vector<16xi32>
      %lt3A_46 = arith.cmpi slt, %xor3A_32, %lt3A_45 : vector<16xi32>
      %add3A_47 = arith.constant 16 : i32
      %add3A_48 = vector.broadcast %add3A_47 : i32 to vector<16xi32>
      %add3A_49 = arith.addi %xor3A_32, %add3A_48 : vector<16xi32>
      %select_n3A_50 = arith.select %lt3A_46, %add3A_49, %xor3A_32 : vector<16xi1>, vector<16xi32>
      %broadcast_in_dim3A_51 = vector.shape_cast %select_n3A_50 : vector<16xi32> to vector<16x1xi32>
      %gather3A_52 = vector.shape_cast %broadcast_in_dim3A_51 : vector<16x1xi32> to vector<16xi32>
      %gather3A_53 = tpu.dynamic_gather %max3A[%gather3A_52] in [0] : vector<16xf32>, vector<16xi32> -> vector<16xf32>
      %max3A_54 = arith.maximumf %max3A, %gather3A_53 : vector<16xf32>
      %xor3A_55 = arith.constant 4 : i32
      %xor3A_56 = vector.broadcast %xor3A_55 : i32 to vector<16xi32>
      %xor3A_57 = arith.xori %iota3A, %xor3A_56 : vector<16xi32>
      %lt3A_58 = arith.constant 0 : i32
      %lt3A_59 = vector.broadcast %lt3A_58 : i32 to vector<16xi32>
      %lt3A_60 = arith.cmpi slt, %xor3A_57, %lt3A_59 : vector<16xi32>
      %add3A_61 = arith.constant 16 : i32
      %add3A_62 = vector.broadcast %add3A_61 : i32 to vector<16xi32>
      %add3A_63 = arith.addi %xor3A_57, %add3A_62 : vector<16xi32>
      %select_n3A_64 = arith.select %lt3A_60, %add3A_63, %xor3A_57 : vector<16xi1>, vector<16xi32>
      %broadcast_in_dim3A_65 = vector.shape_cast %select_n3A_64 : vector<16xi32> to vector<16x1xi32>
      %gather3A_66 = vector.shape_cast %broadcast_in_dim3A_65 : vector<16x1xi32> to vector<16xi32>
      %gather3A_67 = tpu.dynamic_gather %min3A_43[%gather3A_66] in [0] : vector<16xf32>, vector<16xi32> -> vector<16xf32>
      %min3A_68 = arith.minimumf %min3A_43, %gather3A_67 : vector<16xf32>
      %lt3A_69 = arith.constant 0 : i32
      %lt3A_70 = vector.broadcast %lt3A_69 : i32 to vector<16xi32>
      %lt3A_71 = arith.cmpi slt, %xor3A_57, %lt3A_70 : vector<16xi32>
      %add3A_72 = arith.constant 16 : i32
      %add3A_73 = vector.broadcast %add3A_72 : i32 to vector<16xi32>
      %add3A_74 = arith.addi %xor3A_57, %add3A_73 : vector<16xi32>
      %select_n3A_75 = arith.select %lt3A_71, %add3A_74, %xor3A_57 : vector<16xi1>, vector<16xi32>
      %broadcast_in_dim3A_76 = vector.shape_cast %select_n3A_75 : vector<16xi32> to vector<16x1xi32>
      %gather3A_77 = vector.shape_cast %broadcast_in_dim3A_76 : vector<16x1xi32> to vector<16xi32>
      %gather3A_78 = tpu.dynamic_gather %max3A_54[%gather3A_77] in [0] : vector<16xf32>, vector<16xi32> -> vector<16xf32>
      %max3A_79 = arith.maximumf %max3A_54, %gather3A_78 : vector<16xf32>
      %xor3A_80 = arith.constant 8 : i32
      %xor3A_81 = vector.broadcast %xor3A_80 : i32 to vector<16xi32>
      %xor3A_82 = arith.xori %iota3A, %xor3A_81 : vector<16xi32>
      %lt3A_83 = arith.constant 0 : i32
      %lt3A_84 = vector.broadcast %lt3A_83 : i32 to vector<16xi32>
      %lt3A_85 = arith.cmpi slt, %xor3A_82, %lt3A_84 : vector<16xi32>
      %add3A_86 = arith.constant 16 : i32
      %add3A_87 = vector.broadcast %add3A_86 : i32 to vector<16xi32>
      %add3A_88 = arith.addi %xor3A_82, %add3A_87 : vector<16xi32>
      %select_n3A_89 = arith.select %lt3A_85, %add3A_88, %xor3A_82 : vector<16xi1>, vector<16xi32>
      %broadcast_in_dim3A_90 = vector.shape_cast %select_n3A_89 : vector<16xi32> to vector<16x1xi32>
      %gather3A_91 = vector.shape_cast %broadcast_in_dim3A_90 : vector<16x1xi32> to vector<16xi32>
      %gather3A_92 = tpu.dynamic_gather %min3A_68[%gather3A_91] in [0] : vector<16xf32>, vector<16xi32> -> vector<16xf32>
      %min3A_93 = arith.minimumf %min3A_68, %gather3A_92 : vector<16xf32>
      %lt3A_94 = arith.constant 0 : i32
      %lt3A_95 = vector.broadcast %lt3A_94 : i32 to vector<16xi32>
      %lt3A_96 = arith.cmpi slt, %xor3A_82, %lt3A_95 : vector<16xi32>
      %add3A_97 = arith.constant 16 : i32
      %add3A_98 = vector.broadcast %add3A_97 : i32 to vector<16xi32>
      %add3A_99 = arith.addi %xor3A_82, %add3A_98 : vector<16xi32>
      %select_n3A_100 = arith.select %lt3A_96, %add3A_99, %xor3A_82 : vector<16xi1>, vector<16xi32>
      %broadcast_in_dim3A_101 = vector.shape_cast %select_n3A_100 : vector<16xi32> to vector<16x1xi32>
      %gather3A_102 = vector.shape_cast %broadcast_in_dim3A_101 : vector<16x1xi32> to vector<16xi32>
      %gather3A_103 = tpu.dynamic_gather %max3A_79[%gather3A_102] in [0] : vector<16xf32>, vector<16xi32> -> vector<16xf32>
      %max3A_104 = arith.maximumf %max3A_79, %gather3A_103 : vector<16xf32>
      %sub3A = arith.subf %max3A_104, %min3A_93 : vector<16xf32>
      %max3A_105 = arith.constant 9.99999997E-7 : f32
      %max3A_106 = vector.broadcast %max3A_105 : f32 to vector<16xf32>
      %max3A_107 = arith.maximumf %sub3A, %max3A_106 : vector<16xf32>
      %get3A_108 = arith.constant 0 : index
      %get3A_109 = tpu.vector_load %arg13[%get3A_108] {strides = array<i32>} : memref<16xf32, #tpu.memory_space<vmem>>, vector<16xf32>,
      %sub3A_110 = arith.subf %get3A_109, %min3A_93 : vector<16xf32>
      %div3A = arith.divf %sub3A_110, %max3A_107 : vector<16xf32>
      %scan3A_111 = arith.constant 0 : i32
      %scan3A_112 = arith.constant 0 : i32
      %scan3A_113 = arith.constant 1250 : i32
      %scan3A_114 = arith.addi %scan3A_112, %scan3A_113 : i32
      %scan3A_115 = arith.constant 1 : i32
      %scan3A_116 = scf.for %scan3A_191 = %scan3A_112 to %scan3A_114 step %scan3A_115 iter_args(%scan3A_192 = %scan3A_111) -> (i32)  : i32 {
        %mul3A_193 = arith.constant 16 : i32
        %mul3A_194 = arith.muli %scan3A_191, %mul3A_193 : i32
        %get3A_195 = arith.index_cast %mul3A_194 : i32 to index
        %get3A_196 = tpu.vector_load %arg8[%get3A_195] {strides = array<i32>} : memref<20000xf32, #tpu.memory_space<vmem>>, vector<16xf32>,
        %sub3A_197 = arith.subf %get3A_196, %min3A_93 : vector<16xf32>
        %div3A_198 = arith.divf %sub3A_197, %max3A_107 : vector<16xf32>
        %sub3A_199 = arith.subf %div3A_198, %div3A : vector<16xf32>
        %ge3A = arith.constant 0.000000e+00 : f32
        %ge3A_200 = vector.broadcast %ge3A : f32 to vector<16xf32>
        %ge3A_201 = arith.cmpf oge, %sub3A_199, %ge3A_200 : vector<16xf32>
        %mul3A_202 = arith.constant 16 : i32
        %mul3A_203 = arith.muli %scan3A_191, %mul3A_202 : i32
        %get3A_204 = arith.index_cast %mul3A_203 : i32 to index
        %get3A_205 = tpu.vector_load %arg10[%get3A_204] {strides = array<i32>} : memref<20000xi32, #tpu.memory_space<vmem>>, vector<16xi32>,
        %mul3A_206 = arith.constant 16 : i32
        %mul3A_207 = arith.muli %scan3A_191, %mul3A_206 : i32
        %add3A_208 = vector.broadcast %mul3A_207 : i32 to vector<16xi32>
        %add3A_209 = arith.addi %iota3A, %add3A_208 : vector<16xi32>
        %select_n3A_210 = arith.select %ge3A_201, %add3A_209, %get3A_205 : vector<16xi1>, vector<16xi32>
        %mul3A_211 = arith.constant 16 : i32
        %mul3A_212 = arith.muli %scan3A_191, %mul3A_211 : i32
        %swap3A = arith.index_cast %mul3A_212 : i32 to index
        %swap3A_213 = tpu.vector_load %arg11[%swap3A] {strides = array<i32>} : memref<20000xi32, #tpu.memory_space<vmem>>, vector<16xi32>,
        tpu.vector_store %arg11[%swap3A], %select_n3A_210 {strides = array<i32>} : memref<20000xi32, #tpu.memory_space<vmem>>, vector<16xi32>,
        %scan3A_214 = arith.constant 0 : i32
        scf.yield %scan3A_214 : i32
      }
      %scan3A_117 = arith.constant 1250 : i32
      %scan3A_118 = arith.constant 0 : i32
      %scan3A_119 = arith.constant 0 : i32
      %scan3A_120 = arith.constant 1250 : i32
      %scan3A_121 = arith.addi %scan3A_119, %scan3A_120 : i32
      %scan3A_122 = arith.constant 1 : i32
      %scan3A_123 = scf.for %scan3A_191 = %scan3A_119 to %scan3A_121 step %scan3A_122 iter_args(%scan3A_192 = %scan3A_118) -> (i32)  : i32 {
        %mul3A_193 = arith.constant 16 : i32
        %mul3A_194 = arith.muli %scan3A_191, %mul3A_193 : i32
        %get3A_195 = arith.index_cast %mul3A_194 : i32 to index
        %get3A_196 = tpu.vector_load %arg11[%get3A_195] {strides = array<i32>} : memref<20000xi32, #tpu.memory_space<vmem>>, vector<16xi32>,
        %gather3A_197 = tpu.vector_load_idx %arg11[%get3A_196] : memref<20000xi32, #tpu.memory_space<vmem>>[vector<16xi32>], vector<16xi32>,
        %mul3A_198 = arith.constant 16 : i32
        %mul3A_199 = arith.muli %scan3A_191, %mul3A_198 : i32
        %swap3A = arith.index_cast %mul3A_199 : i32 to index
        %swap3A_200 = tpu.vector_load %arg11[%swap3A] {strides = array<i32>} : memref<20000xi32, #tpu.memory_space<vmem>>, vector<16xi32>,
        tpu.vector_store %arg11[%swap3A], %gather3A_197 {strides = array<i32>} : memref<20000xi32, #tpu.memory_space<vmem>>, vector<16xi32>,
        %scan3A_201 = arith.constant 0 : i32
        scf.yield %scan3A_201 : i32
      }
      %scan3A_124 = arith.constant 1250 : i32
      %scan3A_125 = arith.constant 0 : i32
      %scan3A_126 = arith.constant 0 : i32
      %scan3A_127 = arith.constant 1250 : i32
      %scan3A_128 = arith.addi %scan3A_126, %scan3A_127 : i32
      %scan3A_129 = arith.constant 1 : i32
      %scan3A_130 = scf.for %scan3A_191 = %scan3A_126 to %scan3A_128 step %scan3A_129 iter_args(%scan3A_192 = %scan3A_125) -> (i32)  : i32 {
        %mul3A_193 = arith.constant 16 : i32
        %mul3A_194 = arith.muli %scan3A_191, %mul3A_193 : i32
        %get3A_195 = arith.index_cast %mul3A_194 : i32 to index
        %get3A_196 = tpu.vector_load %arg11[%get3A_195] {strides = array<i32>} : memref<20000xi32, #tpu.memory_space<vmem>>, vector<16xi32>,
        %gather3A_197 = tpu.vector_load_idx %arg11[%get3A_196] : memref<20000xi32, #tpu.memory_space<vmem>>[vector<16xi32>], vector<16xi32>,
        %mul3A_198 = arith.constant 16 : i32
        %mul3A_199 = arith.muli %scan3A_191, %mul3A_198 : i32
        %swap3A = arith.index_cast %mul3A_199 : i32 to index
        %swap3A_200 = tpu.vector_load %arg11[%swap3A] {strides = array<i32>} : memref<20000xi32, #tpu.memory_space<vmem>>, vector<16xi32>,
        tpu.vector_store %arg11[%swap3A], %gather3A_197 {strides = array<i32>} : memref<20000xi32, #tpu.memory_space<vmem>>, vector<16xi32>,
        %scan3A_201 = arith.constant 0 : i32
        scf.yield %scan3A_201 : i32
      }
      %scan3A_131 = arith.constant 1250 : i32
      %scan3A_132 = arith.constant 0 : i32
      %scan3A_133 = arith.constant 0 : i32
      %scan3A_134 = arith.constant 1250 : i32
      %scan3A_135 = arith.addi %scan3A_133, %scan3A_134 : i32
      %scan3A_136 = arith.constant 1 : i32
      %scan3A_137 = scf.for %scan3A_191 = %scan3A_133 to %scan3A_135 step %scan3A_136 iter_args(%scan3A_192 = %scan3A_132) -> (i32)  : i32 {
        %mul3A_193 = arith.constant 16 : i32
        %mul3A_194 = arith.muli %scan3A_191, %mul3A_193 : i32
        %get3A_195 = arith.index_cast %mul3A_194 : i32 to index
        %get3A_196 = tpu.vector_load %arg11[%get3A_195] {strides = array<i32>} : memref<20000xi32, #tpu.memory_space<vmem>>, vector<16xi32>,
        %gather3A_197 = tpu.vector_load_idx %arg11[%get3A_196] : memref<20000xi32, #tpu.memory_space<vmem>>[vector<16xi32>], vector<16xi32>,
        %mul3A_198 = arith.constant 16 : i32
        %mul3A_199 = arith.muli %scan3A_191, %mul3A_198 : i32
        %swap3A = arith.index_cast %mul3A_199 : i32 to index
        %swap3A_200 = tpu.vector_load %arg11[%swap3A] {strides = array<i32>} : memref<20000xi32, #tpu.memory_space<vmem>>, vector<16xi32>,
        tpu.vector_store %arg11[%swap3A], %gather3A_197 {strides = array<i32>} : memref<20000xi32, #tpu.memory_space<vmem>>, vector<16xi32>,
        %scan3A_201 = arith.constant 0 : i32
        scf.yield %scan3A_201 : i32
      }
      %scan3A_138 = arith.constant 1250 : i32
      %scan3A_139 = arith.constant 0 : i32
      %scan3A_140 = arith.constant 0 : i32
      %scan3A_141 = arith.constant 1250 : i32
      %scan3A_142 = arith.addi %scan3A_140, %scan3A_141 : i32
      %scan3A_143 = arith.constant 1 : i32
      %scan3A_144 = scf.for %scan3A_191 = %scan3A_140 to %scan3A_142 step %scan3A_143 iter_args(%scan3A_192 = %scan3A_139) -> (i32)  : i32 {
        %mul3A_193 = arith.constant 16 : i32
        %mul3A_194 = arith.muli %scan3A_191, %mul3A_193 : i32
        %get3A_195 = arith.index_cast %mul3A_194 : i32 to index
        %get3A_196 = tpu.vector_load %arg11[%get3A_195] {strides = array<i32>} : memref<20000xi32, #tpu.memory_space<vmem>>, vector<16xi32>,
        %gather3A_197 = tpu.vector_load_idx %arg11[%get3A_196] : memref<20000xi32, #tpu.memory_space<vmem>>[vector<16xi32>], vector<16xi32>,
        %mul3A_198 = arith.constant 16 : i32
        %mul3A_199 = arith.muli %scan3A_191, %mul3A_198 : i32
        %swap3A = arith.index_cast %mul3A_199 : i32 to index
        %swap3A_200 = tpu.vector_load %arg11[%swap3A] {strides = array<i32>} : memref<20000xi32, #tpu.memory_space<vmem>>, vector<16xi32>,
        tpu.vector_store %arg11[%swap3A], %gather3A_197 {strides = array<i32>} : memref<20000xi32, #tpu.memory_space<vmem>>, vector<16xi32>,
        %scan3A_201 = arith.constant 0 : i32
        scf.yield %scan3A_201 : i32
      }
      %scan3A_145 = arith.constant 1250 : i32
      %scan3A_146 = arith.constant 0 : i32
      %scan3A_147 = arith.constant 0 : i32
      %scan3A_148 = arith.constant 1250 : i32
      %scan3A_149 = arith.addi %scan3A_147, %scan3A_148 : i32
      %scan3A_150 = arith.constant 1 : i32
      %scan3A_151 = scf.for %scan3A_191 = %scan3A_147 to %scan3A_149 step %scan3A_150 iter_args(%scan3A_192 = %scan3A_146) -> (i32)  : i32 {
        %mul3A_193 = arith.constant 16 : i32
        %mul3A_194 = arith.muli %scan3A_191, %mul3A_193 : i32
        %get3A_195 = arith.index_cast %mul3A_194 : i32 to index
        %get3A_196 = tpu.vector_load %arg11[%get3A_195] {strides = array<i32>} : memref<20000xi32, #tpu.memory_space<vmem>>, vector<16xi32>,
        %gather3A_197 = tpu.vector_load_idx %arg9[%get3A_196] : memref<20000xf32, #tpu.memory_space<vmem>>[vector<16xi32>], vector<16xf32>,
        %mul3A_198 = arith.constant 16 : i32
        %mul3A_199 = arith.muli %scan3A_191, %mul3A_198 : i32
        %swap3A = arith.index_cast %mul3A_199 : i32 to index
        %swap3A_200 = tpu.vector_load %arg12[%swap3A] {strides = array<i32>} : memref<20000xf32, #tpu.memory_space<vmem>>, vector<16xf32>,
        tpu.vector_store %arg12[%swap3A], %gather3A_197 {strides = array<i32>} : memref<20000xf32, #tpu.memory_space<vmem>>, vector<16xf32>,
        %scan3A_201 = arith.constant 0 : i32
        scf.yield %scan3A_201 : i32
      }
      %scan3A_152 = arith.constant 1250 : i32
      %mul3A_153 = arith.constant 50176 : i32
      %mul3A_154 = arith.muli %add3A, %mul3A_153 : i32
      %add3A_155 = arith.constant 0 : i32
      %add3A_156 = arith.addi %mul3A_154, %add3A_155 : i32
      "tpu.region"() ({
        %run_scoped3A = tpu.sem_alloc : memref<!tpu.dma_semaphore, #tpu.memory_space<semaphore_mem>>
        %dma_start3A = tpu.memref_slice %arg5[%add3A_156] : memref<602112xi32, #tpu.memory_space<hbm>> -> memref<12544xi32, #tpu.memory_space<hbm>>
        %dma_start3A_191 = tpu.memref_slice %arg5[%add3A_156] : memref<602112xi32, #tpu.memory_space<hbm>> -> memref<12544xi32, #tpu.memory_space<hbm>>
        tpu.enqueue_dma source(%dma_start3A_191 : memref<12544xi32, #tpu.memory_space<hbm>>) target(%arg14 : memref<12544xi32, #tpu.memory_space<vmem>>) target_semaphore(%run_scoped3A : memref<!tpu.dma_semaphore, #tpu.memory_space<semaphore_mem>>)
        %dma_wait3A = tpu.memref_slice %arg5[%add3A_156] : memref<602112xi32, #tpu.memory_space<hbm>> -> memref<12544xi32, #tpu.memory_space<hbm>>
        %dma_wait3A_192 = tpu.memref_slice %arg5[%add3A_156] : memref<602112xi32, #tpu.memory_space<hbm>> -> memref<12544xi32, #tpu.memory_space<hbm>>
        tpu.wait_dma2 semaphore(%run_scoped3A : memref<!tpu.dma_semaphore, #tpu.memory_space<semaphore_mem>>) src(%dma_wait3A_192 : memref<12544xi32, #tpu.memory_space<hbm>>) dst(%arg14 : memref<12544xi32, #tpu.memory_space<vmem>>)
        tpu.yield
      }) : () -> ()
      %scan3A_157 = arith.constant 0 : i32
      %scan3A_158 = arith.constant 0 : i32
      %scan3A_159 = arith.constant 784 : i32
      %scan3A_160 = arith.addi %scan3A_158, %scan3A_159 : i32
      %scan3A_161 = arith.constant 1 : i32
      %scan3A_162 = scf.for %scan3A_191 = %scan3A_158 to %scan3A_160 step %scan3A_161 iter_args(%scan3A_192 = %scan3A_157) -> (i32)  : i32 {
        %mul3A_193 = arith.constant 16 : i32
        %mul3A_194 = arith.muli %scan3A_191, %mul3A_193 : i32
        %get3A_195 = arith.index_cast %mul3A_194 : i32 to index
        %get3A_196 = tpu.vector_load %arg14[%get3A_195] {strides = array<i32>} : memref<12544xi32, #tpu.memory_space<vmem>>, vector<16xi32>,
        %gather3A_197 = tpu.vector_load_idx %arg12[%get3A_196] : memref<20000xf32, #tpu.memory_space<vmem>>[vector<16xi32>], vector<16xf32>,
        %mul3A_198 = arith.constant 16 : i32
        %mul3A_199 = arith.muli %scan3A_191, %mul3A_198 : i32
        %swap3A = arith.index_cast %mul3A_199 : i32 to index
        %swap3A_200 = tpu.vector_load %arg15[%swap3A] {strides = array<i32>} : memref<12544xf32, #tpu.memory_space<vmem>>, vector<16xf32>,
        tpu.vector_store %arg15[%swap3A], %gather3A_197 {strides = array<i32>} : memref<12544xf32, #tpu.memory_space<vmem>>, vector<16xf32>,
        %scan3A_201 = arith.constant 0 : i32
        scf.yield %scan3A_201 : i32
      }
      %scan3A_163 = arith.constant 784 : i32
      "tpu.region"() ({
        %run_scoped3A = tpu.sem_alloc : memref<!tpu.dma_semaphore, #tpu.memory_space<semaphore_mem>>
        %dma_start3A = tpu.memref_slice %arg7[%add3A_156] : memref<602112xf32, #tpu.memory_space<hbm>> -> memref<12544xf32, #tpu.memory_space<hbm>>
        %dma_start3A_191 = tpu.memref_slice %arg7[%add3A_156] : memref<602112xf32, #tpu.memory_space<hbm>> -> memref<12544xf32, #tpu.memory_space<hbm>>
        tpu.enqueue_dma source(%arg15 : memref<12544xf32, #tpu.memory_space<vmem>>) target(%dma_start3A_191 : memref<12544xf32, #tpu.memory_space<hbm>>) target_semaphore(%run_scoped3A : memref<!tpu.dma_semaphore, #tpu.memory_space<semaphore_mem>>)
        %dma_wait3A = tpu.memref_slice %arg7[%add3A_156] : memref<602112xf32, #tpu.memory_space<hbm>> -> memref<12544xf32, #tpu.memory_space<hbm>>
        %dma_wait3A_192 = tpu.memref_slice %arg7[%add3A_156] : memref<602112xf32, #tpu.memory_space<hbm>> -> memref<12544xf32, #tpu.memory_space<hbm>>
        tpu.wait_dma2 semaphore(%run_scoped3A : memref<!tpu.dma_semaphore, #tpu.memory_space<semaphore_mem>>) src(%arg15 : memref<12544xf32, #tpu.memory_space<vmem>>) dst(%dma_wait3A_192 : memref<12544xf32, #tpu.memory_space<hbm>>)
        tpu.yield
      }) : () -> ()
      %add3A_164 = arith.constant 12544 : i32
      %add3A_165 = arith.addi %mul3A_154, %add3A_164 : i32
      "tpu.region"() ({
        %run_scoped3A = tpu.sem_alloc : memref<!tpu.dma_semaphore, #tpu.memory_space<semaphore_mem>>
        %dma_start3A = tpu.memref_slice %arg5[%add3A_165] : memref<602112xi32, #tpu.memory_space<hbm>> -> memref<12544xi32, #tpu.memory_space<hbm>>
        %dma_start3A_191 = tpu.memref_slice %arg5[%add3A_165] : memref<602112xi32, #tpu.memory_space<hbm>> -> memref<12544xi32, #tpu.memory_space<hbm>>
        tpu.enqueue_dma source(%dma_start3A_191 : memref<12544xi32, #tpu.memory_space<hbm>>) target(%arg14 : memref<12544xi32, #tpu.memory_space<vmem>>) target_semaphore(%run_scoped3A : memref<!tpu.dma_semaphore, #tpu.memory_space<semaphore_mem>>)
        %dma_wait3A = tpu.memref_slice %arg5[%add3A_165] : memref<602112xi32, #tpu.memory_space<hbm>> -> memref<12544xi32, #tpu.memory_space<hbm>>
        %dma_wait3A_192 = tpu.memref_slice %arg5[%add3A_165] : memref<602112xi32, #tpu.memory_space<hbm>> -> memref<12544xi32, #tpu.memory_space<hbm>>
        tpu.wait_dma2 semaphore(%run_scoped3A : memref<!tpu.dma_semaphore, #tpu.memory_space<semaphore_mem>>) src(%dma_wait3A_192 : memref<12544xi32, #tpu.memory_space<hbm>>) dst(%arg14 : memref<12544xi32, #tpu.memory_space<vmem>>)
        tpu.yield
      }) : () -> ()
      %scan3A_166 = arith.constant 0 : i32
      %scan3A_167 = arith.constant 0 : i32
      %scan3A_168 = arith.constant 784 : i32
      %scan3A_169 = arith.addi %scan3A_167, %scan3A_168 : i32
      %scan3A_170 = arith.constant 1 : i32
      %scan3A_171 = scf.for %scan3A_191 = %scan3A_167 to %scan3A_169 step %scan3A_170 iter_args(%scan3A_192 = %scan3A_166) -> (i32)  : i32 {
        %mul3A_193 = arith.constant 16 : i32
        %mul3A_194 = arith.muli %scan3A_191, %mul3A_193 : i32
        %get3A_195 = arith.index_cast %mul3A_194 : i32 to index
        %get3A_196 = tpu.vector_load %arg14[%get3A_195] {strides = array<i32>} : memref<12544xi32, #tpu.memory_space<vmem>>, vector<16xi32>,
        %gather3A_197 = tpu.vector_load_idx %arg12[%get3A_196] : memref<20000xf32, #tpu.memory_space<vmem>>[vector<16xi32>], vector<16xf32>,
        %mul3A_198 = arith.constant 16 : i32
        %mul3A_199 = arith.muli %scan3A_191, %mul3A_198 : i32
        %swap3A = arith.index_cast %mul3A_199 : i32 to index
        %swap3A_200 = tpu.vector_load %arg15[%swap3A] {strides = array<i32>} : memref<12544xf32, #tpu.memory_space<vmem>>, vector<16xf32>,
        tpu.vector_store %arg15[%swap3A], %gather3A_197 {strides = array<i32>} : memref<12544xf32, #tpu.memory_space<vmem>>, vector<16xf32>,
        %scan3A_201 = arith.constant 0 : i32
        scf.yield %scan3A_201 : i32
      }
      %scan3A_172 = arith.constant 784 : i32
      "tpu.region"() ({
        %run_scoped3A = tpu.sem_alloc : memref<!tpu.dma_semaphore, #tpu.memory_space<semaphore_mem>>
        %dma_start3A = tpu.memref_slice %arg7[%add3A_165] : memref<602112xf32, #tpu.memory_space<hbm>> -> memref<12544xf32, #tpu.memory_space<hbm>>
        %dma_start3A_191 = tpu.memref_slice %arg7[%add3A_165] : memref<602112xf32, #tpu.memory_space<hbm>> -> memref<12544xf32, #tpu.memory_space<hbm>>
        tpu.enqueue_dma source(%arg15 : memref<12544xf32, #tpu.memory_space<vmem>>) target(%dma_start3A_191 : memref<12544xf32, #tpu.memory_space<hbm>>) target_semaphore(%run_scoped3A : memref<!tpu.dma_semaphore, #tpu.memory_space<semaphore_mem>>)
        %dma_wait3A = tpu.memref_slice %arg7[%add3A_165] : memref<602112xf32, #tpu.memory_space<hbm>> -> memref<12544xf32, #tpu.memory_space<hbm>>
        %dma_wait3A_192 = tpu.memref_slice %arg7[%add3A_165] : memref<602112xf32, #tpu.memory_space<hbm>> -> memref<12544xf32, #tpu.memory_space<hbm>>
        tpu.wait_dma2 semaphore(%run_scoped3A : memref<!tpu.dma_semaphore, #tpu.memory_space<semaphore_mem>>) src(%arg15 : memref<12544xf32, #tpu.memory_space<vmem>>) dst(%dma_wait3A_192 : memref<12544xf32, #tpu.memory_space<hbm>>)
        tpu.yield
      }) : () -> ()
      %add3A_173 = arith.constant 25088 : i32
      %add3A_174 = arith.addi %mul3A_154, %add3A_173 : i32
      "tpu.region"() ({
        %run_scoped3A = tpu.sem_alloc : memref<!tpu.dma_semaphore, #tpu.memory_space<semaphore_mem>>
        %dma_start3A = tpu.memref_slice %arg5[%add3A_174] : memref<602112xi32, #tpu.memory_space<hbm>> -> memref<12544xi32, #tpu.memory_space<hbm>>
        %dma_start3A_191 = tpu.memref_slice %arg5[%add3A_174] : memref<602112xi32, #tpu.memory_space<hbm>> -> memref<12544xi32, #tpu.memory_space<hbm>>
        tpu.enqueue_dma source(%dma_start3A_191 : memref<12544xi32, #tpu.memory_space<hbm>>) target(%arg14 : memref<12544xi32, #tpu.memory_space<vmem>>) target_semaphore(%run_scoped3A : memref<!tpu.dma_semaphore, #tpu.memory_space<semaphore_mem>>)
        %dma_wait3A = tpu.memref_slice %arg5[%add3A_174] : memref<602112xi32, #tpu.memory_space<hbm>> -> memref<12544xi32, #tpu.memory_space<hbm>>
        %dma_wait3A_192 = tpu.memref_slice %arg5[%add3A_174] : memref<602112xi32, #tpu.memory_space<hbm>> -> memref<12544xi32, #tpu.memory_space<hbm>>
        tpu.wait_dma2 semaphore(%run_scoped3A : memref<!tpu.dma_semaphore, #tpu.memory_space<semaphore_mem>>) src(%dma_wait3A_192 : memref<12544xi32, #tpu.memory_space<hbm>>) dst(%arg14 : memref<12544xi32, #tpu.memory_space<vmem>>)
        tpu.yield
      }) : () -> ()
      %scan3A_175 = arith.constant 0 : i32
      %scan3A_176 = arith.constant 0 : i32
      %scan3A_177 = arith.constant 784 : i32
      %scan3A_178 = arith.addi %scan3A_176, %scan3A_177 : i32
      %scan3A_179 = arith.constant 1 : i32
      %scan3A_180 = scf.for %scan3A_191 = %scan3A_176 to %scan3A_178 step %scan3A_179 iter_args(%scan3A_192 = %scan3A_175) -> (i32)  : i32 {
        %mul3A_193 = arith.constant 16 : i32
        %mul3A_194 = arith.muli %scan3A_191, %mul3A_193 : i32
        %get3A_195 = arith.index_cast %mul3A_194 : i32 to index
        %get3A_196 = tpu.vector_load %arg14[%get3A_195] {strides = array<i32>} : memref<12544xi32, #tpu.memory_space<vmem>>, vector<16xi32>,
        %gather3A_197 = tpu.vector_load_idx %arg12[%get3A_196] : memref<20000xf32, #tpu.memory_space<vmem>>[vector<16xi32>], vector<16xf32>,
        %mul3A_198 = arith.constant 16 : i32
        %mul3A_199 = arith.muli %scan3A_191, %mul3A_198 : i32
        %swap3A = arith.index_cast %mul3A_199 : i32 to index
        %swap3A_200 = tpu.vector_load %arg15[%swap3A] {strides = array<i32>} : memref<12544xf32, #tpu.memory_space<vmem>>, vector<16xf32>,
        tpu.vector_store %arg15[%swap3A], %gather3A_197 {strides = array<i32>} : memref<12544xf32, #tpu.memory_space<vmem>>, vector<16xf32>,
        %scan3A_201 = arith.constant 0 : i32
        scf.yield %scan3A_201 : i32
      }
      %scan3A_181 = arith.constant 784 : i32
      "tpu.region"() ({
        %run_scoped3A = tpu.sem_alloc : memref<!tpu.dma_semaphore, #tpu.memory_space<semaphore_mem>>
        %dma_start3A = tpu.memref_slice %arg7[%add3A_174] : memref<602112xf32, #tpu.memory_space<hbm>> -> memref<12544xf32, #tpu.memory_space<hbm>>
        %dma_start3A_191 = tpu.memref_slice %arg7[%add3A_174] : memref<602112xf32, #tpu.memory_space<hbm>> -> memref<12544xf32, #tpu.memory_space<hbm>>
        tpu.enqueue_dma source(%arg15 : memref<12544xf32, #tpu.memory_space<vmem>>) target(%dma_start3A_191 : memref<12544xf32, #tpu.memory_space<hbm>>) target_semaphore(%run_scoped3A : memref<!tpu.dma_semaphore, #tpu.memory_space<semaphore_mem>>)
        %dma_wait3A = tpu.memref_slice %arg7[%add3A_174] : memref<602112xf32, #tpu.memory_space<hbm>> -> memref<12544xf32, #tpu.memory_space<hbm>>
        %dma_wait3A_192 = tpu.memref_slice %arg7[%add3A_174] : memref<602112xf32, #tpu.memory_space<hbm>> -> memref<12544xf32, #tpu.memory_space<hbm>>
        tpu.wait_dma2 semaphore(%run_scoped3A : memref<!tpu.dma_semaphore, #tpu.memory_space<semaphore_mem>>) src(%arg15 : memref<12544xf32, #tpu.memory_space<vmem>>) dst(%dma_wait3A_192 : memref<12544xf32, #tpu.memory_space<hbm>>)
        tpu.yield
      }) : () -> ()
      %add3A_182 = arith.constant 37632 : i32
      %add3A_183 = arith.addi %mul3A_154, %add3A_182 : i32
      "tpu.region"() ({
        %run_scoped3A = tpu.sem_alloc : memref<!tpu.dma_semaphore, #tpu.memory_space<semaphore_mem>>
        %dma_start3A = tpu.memref_slice %arg5[%add3A_183] : memref<602112xi32, #tpu.memory_space<hbm>> -> memref<12544xi32, #tpu.memory_space<hbm>>
        %dma_start3A_191 = tpu.memref_slice %arg5[%add3A_183] : memref<602112xi32, #tpu.memory_space<hbm>> -> memref<12544xi32, #tpu.memory_space<hbm>>
        tpu.enqueue_dma source(%dma_start3A_191 : memref<12544xi32, #tpu.memory_space<hbm>>) target(%arg14 : memref<12544xi32, #tpu.memory_space<vmem>>) target_semaphore(%run_scoped3A : memref<!tpu.dma_semaphore, #tpu.memory_space<semaphore_mem>>)
        %dma_wait3A = tpu.memref_slice %arg5[%add3A_183] : memref<602112xi32, #tpu.memory_space<hbm>> -> memref<12544xi32, #tpu.memory_space<hbm>>
        %dma_wait3A_192 = tpu.memref_slice %arg5[%add3A_183] : memref<602112xi32, #tpu.memory_space<hbm>> -> memref<12544xi32, #tpu.memory_space<hbm>>
        tpu.wait_dma2 semaphore(%run_scoped3A : memref<!tpu.dma_semaphore, #tpu.memory_space<semaphore_mem>>) src(%dma_wait3A_192 : memref<12544xi32, #tpu.memory_space<hbm>>) dst(%arg14 : memref<12544xi32, #tpu.memory_space<vmem>>)
        tpu.yield
      }) : () -> ()
      %scan3A_184 = arith.constant 0 : i32
      %scan3A_185 = arith.constant 0 : i32
      %scan3A_186 = arith.constant 784 : i32
      %scan3A_187 = arith.addi %scan3A_185, %scan3A_186 : i32
      %scan3A_188 = arith.constant 1 : i32
      %scan3A_189 = scf.for %scan3A_191 = %scan3A_185 to %scan3A_187 step %scan3A_188 iter_args(%scan3A_192 = %scan3A_184) -> (i32)  : i32 {
        %mul3A_193 = arith.constant 16 : i32
        %mul3A_194 = arith.muli %scan3A_191, %mul3A_193 : i32
        %get3A_195 = arith.index_cast %mul3A_194 : i32 to index
        %get3A_196 = tpu.vector_load %arg14[%get3A_195] {strides = array<i32>} : memref<12544xi32, #tpu.memory_space<vmem>>, vector<16xi32>,
        %gather3A_197 = tpu.vector_load_idx %arg12[%get3A_196] : memref<20000xf32, #tpu.memory_space<vmem>>[vector<16xi32>], vector<16xf32>,
        %mul3A_198 = arith.constant 16 : i32
        %mul3A_199 = arith.muli %scan3A_191, %mul3A_198 : i32
        %swap3A = arith.index_cast %mul3A_199 : i32 to index
        %swap3A_200 = tpu.vector_load %arg15[%swap3A] {strides = array<i32>} : memref<12544xf32, #tpu.memory_space<vmem>>, vector<16xf32>,
        tpu.vector_store %arg15[%swap3A], %gather3A_197 {strides = array<i32>} : memref<12544xf32, #tpu.memory_space<vmem>>, vector<16xf32>,
        %scan3A_201 = arith.constant 0 : i32
        scf.yield %scan3A_201 : i32
      }
      %scan3A_190 = arith.constant 784 : i32
      "tpu.region"() ({
        %run_scoped3A = tpu.sem_alloc : memref<!tpu.dma_semaphore, #tpu.memory_space<semaphore_mem>>
        %dma_start3A = tpu.memref_slice %arg7[%add3A_183] : memref<602112xf32, #tpu.memory_space<hbm>> -> memref<12544xf32, #tpu.memory_space<hbm>>
        %dma_start3A_191 = tpu.memref_slice %arg7[%add3A_183] : memref<602112xf32, #tpu.memory_space<hbm>> -> memref<12544xf32, #tpu.memory_space<hbm>>
        tpu.enqueue_dma source(%arg15 : memref<12544xf32, #tpu.memory_space<vmem>>) target(%dma_start3A_191 : memref<12544xf32, #tpu.memory_space<hbm>>) target_semaphore(%run_scoped3A : memref<!tpu.dma_semaphore, #tpu.memory_space<semaphore_mem>>)
        %dma_wait3A = tpu.memref_slice %arg7[%add3A_183] : memref<602112xf32, #tpu.memory_space<hbm>> -> memref<12544xf32, #tpu.memory_space<hbm>>
        %dma_wait3A_192 = tpu.memref_slice %arg7[%add3A_183] : memref<602112xf32, #tpu.memory_space<hbm>> -> memref<12544xf32, #tpu.memory_space<hbm>>
        tpu.wait_dma2 semaphore(%run_scoped3A : memref<!tpu.dma_semaphore, #tpu.memory_space<semaphore_mem>>) src(%arg15 : memref<12544xf32, #tpu.memory_space<vmem>>) dst(%dma_wait3A_192 : memref<12544xf32, #tpu.memory_space<hbm>>)
        tpu.yield
      }) : () -> ()
    } else {
    }
    return
  }
}

</mosaic_0001>

<sc_bundles>
// kernel: kernel.3.cloned.1.call-start
scs
__scs_entry_jumppad:
0x0: {  	(pc) =	sbr.rel $0x88, $3  }
0x1: {  	(tag) =	ssettag $0x0;
	lr =	simm.s32 $0x1  }
0x2: {  	[smem:$0x3F9C] =	sst lr;
	_ =	strace $0xD0000000  }
0x3: {  	_ = 	snop  }
0x4: {  	_ = 	snop  }
0x5: {  	_ = 	snop  }
0x6: {  	_ = 	snop  }
0x7: {  	_ = 	snop  }
__scs_overlays_trampoline_lowered:
0x8: {  	[smem:$0x3FAB] =	sst s0  }
0x9: {  	[smem:$0x3FAC] =	sst s1  }
0xa: {  	[smem:$0x3FAD] =	sst s2  }
0xb: {  	[smem:$0x3FAE] =	sst s3  }
0xc: {  	[smem:$0x3FAF] =	sst s4  }
0xd: {  	[smem:$0x3FB0] =	sst s5  }
0xe: {  	[smem:$0x3FB1] =	sst s6  }
0xf: {  	[smem:$0x3FB2] =	sst s7  }
0x10: {  	[smem:$0x3FB3] =	sst s8  }
0x11: {  	[smem:$0x3FB4] =	sst s9;
	s0 =	simm.s32 @!p0 $0x0  }
0x12: {  	s1 =	sld [smem:$0x3F9A];
	s0 =	simm.s32 @p0 $0x1  }
0x13: {  	[smem:$0x3FB5] =	sst s0;
	s0 =	simm.s32 @!p1 $0x0  }
0x14: {  	s2 =	sld [smem:$0x3F99];
	s0 =	simm.s32 @p1 $0x1  }
0x15: {  	[smem:$0x3FB6] =	sst s0;
	s0 =	simm.s32 @!p2 $0x0  }
0x16: {  	s3 =	sld [smem:$0x3FDB];
	s0 =	simm.s32 @p2 $0x1  }
0x17: {  	s4 =	simm.s32 $0x1BF5;
	[smem:$0x3FB8] =	sst s0  }
0x18: {  	s0 =	sld [smem:$0x3F9B];
	_ =	swait.ge [sflag:s4], $0x0  }
0x19: {  	s7 =	sld [smem:$0x3F9C]  }
0x1a: {  	s8 =	sadd.s32 $0xFFFFE003, lr  }
0x1b: {  	s9 =	sadd.s32 $0xFFFFFEF7, lr;
	s5 =	simm.s32 $0xFFFFFFFF;
	p2 =	slt.u32 s8, $0xFFFFF086  }
0x1c: {  	p1 =	slt.u32 s9, $0xF7A;
	s5 =	simm.s32 @!p2 $0x0  }
0x1d: {  	s5 =	simm.s32 @p1 $0x1;
	p0 =	seq.s32 s7, s2  }
0x1e: {  	s7 =	smul.u32 @!p0 $0xF7A, s2;
	p2 =	seq.s32 @!p0 s5, $0x0  }
0x1f: {  	s9 =	smul.u32 $0xF7A, s1;
	s8 =	simm.s32 @!p0 $0x1BF5;
	p2 =	por !p2, p0  }
0x20: {  	[sflag:s8] =	ssyncset.s32 @!p0 $0xFFFFF086;
	s6 =	sadd.s32 @!p0 s3, s7;
	s7 =	simm.s32 @!p0 $0x108  }
0x21: {  	s3 =	sadd.s32 s3, s9;
	s6 =	sadd.s32 @!p0 $0x88, s6;
	s7 =	simm.s32 @p2 $0x1082  }
0x22: {  	[simem:s7], [sflag:s8] =	dma.local @!p0 [hbm:s6], $0xF7A  }
0x23: {  	s9 =	sor.u32 $0xD0000000, s2;
	s6 =	simm.s32 $0x108;
	_ =	swait.ge @!p0 [sflag:s8], $0x0  }
0x24: {  	s3 =	sadd.s32 $0x88, s3;
	s6 =	simm.s32 @!p1 $0x1082;
	[sflag:s4] =	ssyncset.s32 $0xFFFFF086  }
0x25: {  	[simem:s6], [sflag:s4] =	dma.local [hbm:s3], $0xF7A  }
0x26: {  	[smem:$0x3F9C] =	sst s1;
	(tag) =	ssettag s2;
	_ =	strace s9  }
0x27: {  	s1 =	sld [smem:$0x3FAC]  }
0x28: {  	s2 =	sld [smem:$0x3FAD]  }
0x29: {  	s4 =	sld [smem:$0x3FAF]  }
0x2a: {  	p0 =	seq.s32 s5, $0x0;
	s5 =	sld [smem:$0x3FB0]  }
0x2b: {  	s6 =	sld [smem:$0x3FB1]  }
0x2c: {  	s7 =	sld [smem:$0x3FB2]  }
0x2d: {  	s3 =	simm.s32 $0x108;
	s8 =	sld [smem:$0x3FB3]  }
0x2e: {  	s3 =	simm.s32 @!p0 $0x1082;
	s9 =	sld [smem:$0x3FB4]  }
0x2f: {  	lr =	sadd.s32 s0, s3;
	s0 =	sld [smem:$0x3FAB]  }
0x30: {  	s3 =	sld [smem:$0x3FAE]  }
0x31: {  	[smem:$0x3FB7] =	sst s10  }
0x32: {  	s10 =	sld [smem:$0x3FB5];
	_ =	sdelay $0x3  }
0x33: {  	p0 =	seq.s32 s10, $0x1;
	s10 =	sld [smem:$0x3FB7];
	_ =	sdelay $0x3  }
0x34: {  	[smem:$0x3FB7] =	sst s10  }
0x35: {  	s10 =	sld [smem:$0x3FB6];
	_ =	sdelay $0x3  }
0x36: {  	p1 =	seq.s32 s10, $0x1;
	s10 =	sld [smem:$0x3FB7];
	_ =	sdelay $0x3  }
0x37: {  	[smem:$0x3FB7] =	sst s10  }
0x38: {  	s10 =	sld [smem:$0x3FB8]  }
0x39: {  	_ = 	snop;
	(pc) =	sbr.ind lr, $3  }
0x3a: {  	_ = 	snop  }
0x3b: {  	_ = 	snop  }
0x3c: {  	p2 =	seq.s32 s10, $0x1;
	s10 =	sld [smem:$0x3FB7]  }
0x3d: {  	_ =	shalt  }
0x3e: {  	_ =	shalt  }
0x3f: {  	_ =	shalt  }
0x40: {  	_ =	shalt  }
0x41: {  	_ =	shalt  }
0x42: {  	_ =	shalt  }
0x43: {  	_ =	shalt  }
0x44: {  	_ =	shalt  }
0x45: {  	_ =	shalt  }
0x46: {  	_ =	shalt  }
0x47: {  	_ =	shalt  }
0x48: {  	_ =	shalt  }
0x49: {  	_ =	shalt  }
0x4a: {  	_ =	shalt  }
0x4b: {  	_ =	shalt  }
0x4c: {  	_ =	shalt  }
0x4d: {  	_ =	shalt  }
0x4e: {  	_ =	shalt  }
0x4f: {  	_ =	shalt  }
0x50: {  	_ =	shalt  }
0x51: {  	_ =	shalt  }
0x52: {  	_ =	shalt  }
0x53: {  	_ =	shalt  }
0x54: {  	_ =	shalt  }
0x55: {  	_ =	shalt  }
0x56: {  	_ =	shalt  }
0x57: {  	_ =	shalt  }
0x58: {  	_ =	shalt  }
0x59: {  	_ =	shalt  }
0x5a: {  	_ =	shalt  }
0x5b: {  	_ =	shalt  }
0x5c: {  	_ =	shalt  }
0x5d: {  	_ =	shalt  }
0x5e: {  	_ =	shalt  }
0x5f: {  	_ =	shalt  }
0x60: {  	_ =	shalt  }
0x61: {  	_ =	shalt  }
0x62: {  	_ =	shalt  }
0x63: {  	_ =	shalt  }
0x64: {  	_ =	shalt  }
0x65: {  	_ =	shalt  }
0x66: {  	_ =	shalt  }
0x67: {  	_ =	shalt  }
0x68: {  	_ =	shalt  }
0x69: {  	_ =	shalt  }
0x6a: {  	_ =	shalt  }
0x6b: {  	_ =	shalt  }
0x6c: {  	_ =	shalt  }
0x6d: {  	_ =	shalt  }
0x6e: {  	_ =	shalt  }
0x6f: {  	_ =	shalt  }
0x70: {  	_ =	shalt  }
0x71: {  	_ =	shalt  }
0x72: {  	_ =	shalt  }
0x73: {  	_ =	shalt  }
0x74: {  	_ =	shalt  }
0x75: {  	_ =	shalt  }
0x76: {  	_ =	shalt  }
0x77: {  	_ =	shalt  }
0x78: {  	_ =	shalt  }
0x79: {  	_ =	shalt  }
0x7a: {  	_ =	shalt  }
0x7b: {  	_ =	shalt  }
0x7c: {  	_ =	shalt  }
0x7d: {  	_ =	shalt  }
0x7e: {  	_ =	shalt  }
0x7f: {  	_ =	shalt  }
0x80: {  	_ =	shalt  }
0x81: {  	_ =	shalt  }
0x82: {  	_ =	shalt  }
0x83: {  	_ =	shalt  }
0x84: {  	_ =	shalt  }
0x85: {  	_ =	shalt  }
0x86: {  	_ =	shalt  }
0x87: {  	_ =	shalt  }
.Lfunc_end0:
.L_simem_size_0:
called_computation_lowered:
.L_overlay_start_0:
0x88: {  	s2 =	sld [smem:$0x3FD9]  }
0x89: {  	s3 =	sld [smem:$0x3FFE];
	_ =	sdelay $0x1  }
0x8a: {  	s1 =	srdreg.scid  }
0x8b: {  	s0 =	sand.u32 $0x1, s1  }
0x8c: {  	s17 =	sshll.u32 s0, $0xA;
	s2 =	sadd.s32 s3, s2  }
0x8d: {  	s2 =	sadd.s32 s2, s17  }
0x8e: {  	[smem:$0x3FC3] =	sst s2  }
0x8f: {  	_ = 	snop  }
0x90: {  	s2 =	sld [smem:$0x3FD0];
	(tm) =	ssettm $0x1  }
0x91: {  	s18 =	sld [smem:$0x3FFB];
	_ =	sdelay $0x3  }
0x92: {  	_ =	strace s18  }
0x93: {  	s3 =	sld [smem:$0x3FFC];
	_ =	sdelay $0x3  }
0x94: {  	_ =	strace s3  }
0x95: {  	s3 =	sld [smem:$0x3FFD];
	_ =	sdelay $0x3  }
0x96: {  	_ =	strace s3  }
0x97: {  	_ =	strace $0x8FFFFFFF  }
0x98: {  	s19 =	sld [smem:$0x3FDB];
	_ =	sdelay $0x1  }
0x99: {  	s4 =	simm.s32 $_scs_section_size  }
0x9a: {  	s5 =	simm.s32 $_size__tile_overlayer_lowered;
	s6 =	simm.s32 $_tile_overlayer_lowered  }
0x9b: {  	s22 =	simm.s32 $0x1BFF;
	s21 =	sshll.u32 s6, $0x1;
	s3 =	sadd.s32 s4, s19  }
0x9c: {  	s7 =	simm.s32 $0x0;
	s20 =	sshll.u32 s5, $0x1;
	s5 =	sadd.s32 s21, s3  }
0x9d: {  	[timem:s7], [sflag:s22] =	dma.local [hbm:s5], s20  }
0x9e: {  	_ =	swait.ge [sflag:s22], s20  }
0x9f: {  	s4 =	ssub.s32 $0x0, s20;
	[sflag:s22] =	ssyncset.done $0x0  }
0xa0: {  	[sflag:s22] =	ssyncadd.s32 s4;
	_ =	sdelay $0x1  }
0xa1: {  	s23 =	simm.s32 $0x1B8B  }
0xa2: {  	_ =	swait.ge [sflag:s23], $0x1  }
0xa3: {  	[sflag:s23] =	ssyncset.done $0x0  }
0xa4: {  	s25 =	simm.s32 $0x1B8E;
	s24 =	sld [smem:$0x3FFE];
	[sflag:s23] =	ssyncadd.s32 $0xFFFFFFFF  }
0xa5: {  	s26 =	simm.s32 $execute0_lowered;
	[smem:$0x3FD2] =	sst s25  }
0xa6: {  	s5 =	sshll.u32 s26, $0x1;
	_ =	strace $0x80000046;
	[dreg:$0x1] =	wrdreg $0xFFFFFFFF  }
0xa7: {  	s28 =	simm.s32 $_size_execute0_lowered;
	s3 =	sadd.s32 s3, s5;
	[dreg:$0x0] =	wrdreg $0x0  }
0xa8: {  	s5 =	sshll.u32 s28, $0x1;
	[dreg:$0x2] =	wrdreg s3  }
0xa9: {  	[dreg:$0x3] =	wrdreg s5  }
0xaa: {  	[dreg:$0x4] =	wrdreg $0xC0  }
0xab: {  	_ =	task [dreg:s7], $0x5FFFF  }
0xac: {  	[dreg:$0x1] =	wrdreg $0xFFFFFFFF  }
0xad: {  	[dreg:$0x0] =	wrdreg $0x60  }
0xae: {  	[dreg:$0x2] =	wrdreg s24  }
0xaf: {  	[dreg:$0x3] =	wrdreg s2  }
0xb0: {  	[dreg:$0x4] =	wrdreg $0x9  }
0xb1: {  	_ =	task.clear_ibuf [dreg:s7], $0x5FFFF;
	_ =	strace $0x90000046  }
0xb2: {  	s29 =	simm.s32 $0x9;
	_ =	strace $0x80000048  }
0xb3: {  	_ =	swait.ge [sflag:s29], $0x1  }
0xb4: {  	[sflag:s29] =	ssyncadd.s32 $0xFFFFFFFF  }
0xb5: {  	_ =	strace $0x90000048  }
0xb6: {  	_ =	sfence  }
0xb7: {  	s30 =	sld [smem:$0x0];
	_ =	sdelay $0x2  }
0xb8: {  	s31 =	sshll.u32 s1, $0xD;
	s1 =	sshrl.u32 s1, $0x2  }
0xb9: {  	s3 =	sand.u32 $0x4000, s31;
	s1 =	sadd.s32 s1, s30  }
0xba: {  	s0 =	sor.u32 s3, s0;
	s1 =	sshll.u32 s1, $0x11  }
0xbb: {  	s0 =	sor.u32 s1, s0  }
0xbc: {  	s0 =	sadd.s32 $0x8F2B, s0  }
0xbd: {  	[sflag:s0] =	ssyncadd.remote.s32 $0x1  }
0xbe: {  	_ =	sfence.sel $0xFFFF  }
0xbf: {  	[dreg:$0x0] =	wrdreg $0xFFFFFFFF;
	(pc) =	sbr.abs _section_cstart, $3  }
0xc0: {  	[dreg:$0x1] =	wrdreg $0xFFFFFFFF  }
0xc1: {  	_ =	task.clear_ibuf [dreg:s7], $0x2FFFF;
	_ =	strace $0x9FFFFFFF  }
0xc2: {  	(tm) =	ssettm $0x7FFFFFFF  }
0xc3: {  	_ =	shalt  }
tec
execute0_lowered:
.L_overlay_start_1:
0x0: {  	(tag) =	ssettag $0x1  }
0x1: {  	s1 =	stileid.u32  }
0x2: {  	p0 =	sgt.u32 s1, $0x5  }
.Ltmp0:
0x3: {  	_ = 	snop;
	(pc) =	sbr.rel @p0 .LBB2_25-.Ltmp0, $4  }
0x4: {  	s4 =	rddreg [dreg:$0x0]  }
0x5: {  	s12 =	rddreg [dreg:$0x1];
	s2 =	simm.s32 $0x0  }
0x6: {  	[smem:$0x7FF] =	sst s2  }
0x7: {  	s0 =	rddreg [dreg:$0x2];
	_ =	strace $0x80000047  }
0x8: {  	s3 =	srdreg.scid;
	s30 =	sshll.u32 s1, $0x1;
	v0 =	vimm.s32 $0xEFCDAB89;
	v1 =	vimm.s32 $0x67452301  }
0x9: {  	v2 =	vimm.s32 $0xDCFE98BA;
	s15 =	sadd.s32 $0xC00, s4;
	s13 =	sadd.s32 $0x17000, s4;
	s20 =	simm.s32 $0xEB80  }
0xa: {  	v3 =	vimm.s32 $0x54761032;
	v4 =	vimm.s32 $0xBA98FEDC;
	s21 =	simm.s32 $0x18900;
	s22 =	simm.s32 $0x13A00;
	s10 =	sand.u32 $0x1, s3  }
0xb: {  	v5 =	vimm.s32 $0x32107654;
	v6 =	vimm.s32 $0xFEDCBA98;
	s23 =	simm.s32 $0x1BA00;
	s3 =	sor.u32 s10, s30;
	s17 =	ssub.s32 $0x2, s10  }
0xc: {  	v7 =	vimm.s32 $0x76543210;
	s24 =	simm.s32 $0x0;
	v0 =	vunpack.c.l.s4.s8 v0;
	v1 =	vunpack.c.l.s4.s8 v1;
	s14 =	smul.u32 $0x9C4, s3;
	s19 =	sshrl.u32 s17, $0x1  }
0xd: {  	v2 =	vunpack.c.l.s4.s8 v2;
	v3 =	vunpack.c.l.s4.s8 v3;
	v4 =	vunpack.c.l.s4.s8 v4;
	s5 =	smul.u32 $0xC400, s3;
	s3 =	sadd.s32 $0x16E00, s4;
	s31 =	ssub.s32 s17, s19  }
0xe: {  	v5 =	vunpack.c.l.s4.s8 v5;
	v6 =	vunpack.c.l.s4.s8 v6;
	v0 =	vunpack.c.0.s8.s32 v0;
	s17 =	simm.s32 $0x4E80;
	s19 =	simm.s32 $0x18880;
	s6 =	sadd.s32 s14, s4  }
0xf: {  	v1 =	vunpack.c.0.s8.s32 v1;
	v2 =	vunpack.c.0.s8.s32 v2;
	v3 =	vunpack.c.0.s8.s32 v3;
	s11 =	sshrl.u32 s5, $0x3;
	s14 =	sadd.s32 s15, s14;
	s15 =	smax.u32 s31, $0x1  }
0x10: {  	v7 =	vunpack.c.l.s4.s8 v7;
	v4 =	vunpack.c.0.s8.s32 v4;
	v5 =	vunpack.c.0.s8.s32 v5;
	s4 =	sadd.s32 $0x8200, s6;
	s5 =	sadd.s32 $0xF800, s6;
	s9 =	sadd.s32 $0x620, s11  }
0x11: {  	v0 =	vcombine.low v1, v0;
	v1 =	vcombine.low v3, v2;
	v2 =	vunpack.c.0.s8.s32 v6;
	s6 =	sadd.s32 s12, s11;
	s7 =	sadd.s32 s13, s11;
	s16 =	sadd.s32 $0xC40, s11  }
0x12: {  	v3 =	vcombine.low v5, v4;
	v4 =	vunpack.c.0.s8.s32 v7;
	s18 =	sadd.s32 $0x1260, s11;
	s8 =	sadd.s32 s12, s9;
	s9 =	sadd.s32 s13, s9  }
0x13: {  	s10 =	sadd.s32 s12, s16;
	s11 =	sadd.s32 s13, s16;
	s12 =	sadd.s32 s12, s18;
	v0 =	vand.u32 $0xF, v0;
	v1 =	vand.u32 $0xF, v1;
	v5 =	vand.u32 $0xF, v2  }
0x14: {  	s13 =	sadd.s32 s13, s18;
	s16 =	simm.s32 $0x1;
	s18 =	simm.s32 $0x9D00;
	v2 =	vand.u32 $0xF, v3;
	v3 =	vcombine.low v5, v4;
	v4 =	vlaneseq.u32  }
.LBB2_2:
0x15: {  	[tilespmem:s2], [sflag:$0x1] =	stream.linear.gather [hbm4b:s14+s2], $0x4E20, $0x38;
	[tilespmem:$0x1EB00] =	vst v63  }
0x16: {  	_ =	swait.ge [sflag:s16], $0x4E20  }
0x17: {  	[sflag:s16] =	ssyncset.done $0x0  }
0x18: {  	[sflag:s16] =	ssyncadd.s32 $0xFFFFB1E0  }
0x19: {  	[tilespmem:s17], [sflag:$0x1] =	stream.linear.gather [hbm4b:s4+s2], $0x4E20, $0x38;
	[tilespmem:$0x1EB00] =	vst v63  }
0x1a: {  	_ =	swait.ge [sflag:s16], $0x4E20  }
0x1b: {  	[sflag:s16] =	ssyncset.done $0x0  }
0x1c: {  	[sflag:s16] =	ssyncadd.s32 $0xFFFFB1E0  }
0x1d: {  	[tilespmem:s18], [sflag:$0x1] =	stream.linear.gather [hbm4b:s5+s2], $0x4E20, $0x38;
	[tilespmem:$0x1EB00] =	vst v63  }
0x1e: {  	_ =	swait.ge [sflag:s16], $0x4E20  }
0x1f: {  	[sflag:s16] =	ssyncset.done $0x0  }
0x20: {  	[sflag:s16] =	ssyncadd.s32 $0xFFFFB1E0  }
0x21: {  	[tilespmem:s19], [sflag:$0x1] =	stream.linear.gather [hbm4b:s3+s2], $0x80, $0x38;
	[tilespmem:$0x1EB00] =	vst v63  }
0x22: {  	_ =	swait.ge [sflag:s16], $0x80  }
0x23: {  	[sflag:s16] =	ssyncset.done $0x0  }
0x24: {  	[sflag:s16] =	ssyncadd.s32 $0xFFFFFF80  }
0x25: {  	v5 =	vld [tilespmem:$0x0];
	_ =	sdelay $0x3  }
0x26: {  	s26 =	simm.s32 $0x10  }
0x27: {  	s25 =	simm.s32 $0x80;
	v7 =	vld [tilespmem:s26+$0x0];
	v6 =	vmov v5  }
.LBB2_3:
0x28: {  	p0 =	sne.s32 s25, $0x13840  }
.Ltmp1:
0x29: {  	_ = 	snop;
	(pc) =	sbr.rel @p0 .LBB2_3-.Ltmp1, $3  }
0x2a: {  	_ =	sdelay $0x1  }
0x2b: {  	s26 =	sshra.s32 s25, $0x2;
	s25 =	sadd.s32 $0x40, s25;
	v5 =	vmin.f32 v5, v7;
	v6 =	vmax.f32 v6, v7  }
0x2c: {  	v7 =	vld [tilespmem:s26+$0x0]  }
0x2d: {  	_ =	sdelay $0x3  }
0x2e: {  	v5 =	vmin.f32 v5, v7;
	v6 =	vmax.f32 v6, v7  }
0x2f: {  	v7 =	vperm.xlane v5, v0;
	v8 =	vperm.xlane v6, v0;
	_ =	sdelay $0x1  }
0x30: {  	v5 =	vmin.f32 v5, v7;
	v6 =	vmax.f32 v6, v8  }
0x31: {  	v7 =	vperm.xlane v5, v1;
	v8 =	vperm.xlane v6, v1;
	_ =	sdelay $0x1  }
0x32: {  	v5 =	vmin.f32 v5, v7;
	v6 =	vmax.f32 v6, v8  }
0x33: {  	v7 =	vperm.xlane v5, v2;
	v8 =	vperm.xlane v6, v2;
	_ =	sdelay $0x1  }
0x34: {  	v5 =	vmin.f32 v5, v7;
	v6 =	vmax.f32 v6, v8  }
0x35: {  	v7 =	vperm.xlane v5, v3;
	v8 =	vperm.xlane v6, v3;
	_ =	sdelay $0x1  }
0x36: {  	v5 =	vmin.f32 v5, v7;
	v6 =	vmax.f32 v6, v8  }
0x37: {  	v6 =	vsub.f32 v6, v5;
	_ =	sdelay $0x1  }
0x38: {  	v6 =	vmax.f32 v6, $9.999999970e-07  }
0x39: {  	(erf) = vrcp.f32 v6  }
0x3a: {  	s26 =	simm.s32 $0x0  }
0x3b: {  	v7 =	vld [tilespmem:s26+$0x0]  }
0x3c: {  	v6 =	vld [tilespmem:$0x18880];
	_ =	sdelay $0x4  }
0x3d: {  	v9 =	vsub.f32 v7, v5;
	v8 =	vsub.f32 v6, v5  }
0x3e: {  	s25 =	simm.s32 $0x9D00;
	v6 =	vpop (erf)  }
0x3f: {  	v7 =	vmul.f32 v6, v8;
	v8 =	vmul.f32 v9, v6;
	v9 =	vld [tilespmem:s25+$0x0];
	_ =	sdelay $0x1  }
0x40: {  	v8 =	vsub.f32 v8, v7;
	_ =	sdelay $0x1  }
0x41: {  	vm0 =	vge.f32 v8, $0.0e+00;
	v8 =	vor.u32 s26, v4  }
0x42: {  	s26 =	simm.s32 $0xEB80;
	v8 =	vsel vm0, v8, v9  }
0x43: {  	s28 =	simm.s32 $0x10;
	[tilespmem:s26+$0x0] =	vst v8  }
0x44: {  	s29 =	simm.s32 $0x20;
	s30 =	simm.s32 $0x10;
	v8 =	vld [tilespmem:s28+$0x0]  }
.LBB2_5:
0x45: {  	p0 =	sne.s32 s29, $0x4E10;
	_ =	sdelay $0x3  }
0x46: {  	v8 =	vsub.f32 v8, v5  }
0x47: {  	s25 =	sadd.s32 $0x10, s25  }
0x48: {  	v8 =	vmul.f32 v8, v6;
	v9 =	vld [tilespmem:s25+$0x0];
	_ =	sdelay $0x1  }
0x49: {  	v8 =	vsub.f32 v8, v7  }
.Ltmp2:
0x4a: {  	(pc) =	sbr.rel @p0 .LBB2_5-.Ltmp2, $4  }
0x4b: {  	vm0 =	vge.f32 v8, $0.0e+00;
	v8 =	vor.u32 s28, v4;
	s28 =	smov.u32 s29  }
0x4c: {  	s26 =	sadd.s32 $0x10, s26;
	v8 =	vsel vm0, v8, v9  }
0x4d: {  	s30 =	sadd.s32 $0x10, s30;
	[tilespmem:s26+$0x0] =	vst v8  }
0x4e: {  	s29 =	sadd.s32 $0x10, s29;
	v8 =	vld [tilespmem:s30+$0x0]  }
0x4f: {  	_ =	sdelay $0x3  }
0x50: {  	v5 =	vsub.f32 v8, v5  }
0x51: {  	s25 =	sadd.s32 $0x10, s25  }
0x52: {  	v5 =	vmul.f32 v5, v6;
	v6 =	vld [tilespmem:s25+$0x0];
	_ =	sdelay $0x1  }
0x53: {  	v5 =	vsub.f32 v5, v7;
	_ =	sdelay $0x1  }
0x54: {  	vm0 =	vge.f32 v5, $0.0e+00;
	v5 =	vor.u32 s28, v4  }
0x55: {  	s31 =	sadd.s32 $0x10, s26;
	v5 =	vsel vm0, v5, v6  }
0x56: {  	s26 =	simm.s32 $0x40;
	s25 =	simm.s32 $0x0;
	[tilespmem:s31+$0x0] =	vst v5  }
.LBB2_7:
0x57: {  	p0 =	sne.s32 s26, $0x13840;
	v5 =	vld [tilespmem:s25+$0xEB80];
	_ =	sdelay $0x7  }
0x58: {  	v5 =	vld.idx.msk [tilespmem:v5+s20+$0x0], $0xffff;
	_ =	sdelay $0x1  }
.Ltmp3:
0x59: {  	(pc) =	sbr.rel @p0 .LBB2_7-.Ltmp3, $2  }
0x5a: {  	_ =	sdelay $0x2  }
0x5b: {  	[tilespmem:s25+$0xEB80] =	vst v5;
	s25 =	sshra.s32 s26, $0x2;
	s26 =	sadd.s32 $0x40, s26  }
0x5c: {  	v5 =	vld [tilespmem:s25+$0xEB80];
	_ =	sdelay $0x7  }
0x5d: {  	v5 =	vld.idx.msk [tilespmem:v5+s20+$0x0], $0xffff;
	_ =	sdelay $0x4  }
0x5e: {  	s26 =	simm.s32 $0x40;
	[tilespmem:s25+$0xEB80] =	vst v5;
	s25 =	simm.s32 $0x0  }
.LBB2_9:
0x5f: {  	p0 =	sne.s32 s26, $0x13840;
	v5 =	vld [tilespmem:s25+$0xEB80];
	_ =	sdelay $0x7  }
0x60: {  	v5 =	vld.idx.msk [tilespmem:v5+s20+$0x0], $0xffff;
	_ =	sdelay $0x1  }
.Ltmp4:
0x61: {  	(pc) =	sbr.rel @p0 .LBB2_9-.Ltmp4, $2  }
0x62: {  	_ =	sdelay $0x2  }
0x63: {  	[tilespmem:s25+$0xEB80] =	vst v5;
	s25 =	sshra.s32 s26, $0x2;
	s26 =	sadd.s32 $0x40, s26  }
0x64: {  	v5 =	vld [tilespmem:s25+$0xEB80];
	_ =	sdelay $0x7  }
0x65: {  	v5 =	vld.idx.msk [tilespmem:v5+s20+$0x0], $0xffff;
	_ =	sdelay $0x4  }
0x66: {  	s26 =	simm.s32 $0x40;
	[tilespmem:s25+$0xEB80] =	vst v5;
	s25 =	simm.s32 $0x0  }
.LBB2_11:
0x67: {  	p0 =	sne.s32 s26, $0x13840;
	v5 =	vld [tilespmem:s25+$0xEB80];
	_ =	sdelay $0x7  }
0x68: {  	v5 =	vld.idx.msk [tilespmem:v5+s20+$0x0], $0xffff;
	_ =	sdelay $0x1  }
.Ltmp5:
0x69: {  	(pc) =	sbr.rel @p0 .LBB2_11-.Ltmp5, $2  }
0x6a: {  	_ =	sdelay $0x2  }
0x6b: {  	[tilespmem:s25+$0xEB80] =	vst v5;
	s25 =	sshra.s32 s26, $0x2;
	s26 =	sadd.s32 $0x40, s26  }
0x6c: {  	v5 =	vld [tilespmem:s25+$0xEB80];
	_ =	sdelay $0x7  }
0x6d: {  	v5 =	vld.idx.msk [tilespmem:v5+s20+$0x0], $0xffff;
	_ =	sdelay $0x4  }
0x6e: {  	s26 =	simm.s32 $0x40;
	[tilespmem:s25+$0xEB80] =	vst v5;
	s25 =	simm.s32 $0x0  }
.LBB2_13:
0x6f: {  	p0 =	sne.s32 s26, $0x13840;
	v5 =	vld [tilespmem:s25+$0xEB80];
	_ =	sdelay $0x7  }
0x70: {  	v5 =	vld.idx.msk [tilespmem:v5+s20+$0x0], $0xffff;
	_ =	sdelay $0x1  }
.Ltmp6:
0x71: {  	(pc) =	sbr.rel @p0 .LBB2_13-.Ltmp6, $2  }
0x72: {  	_ =	sdelay $0x2  }
0x73: {  	[tilespmem:s25+$0xEB80] =	vst v5;
	s25 =	sshra.s32 s26, $0x2;
	s26 =	sadd.s32 $0x40, s26  }
0x74: {  	v5 =	vld [tilespmem:s25+$0xEB80];
	_ =	sdelay $0x7  }
0x75: {  	v5 =	vld.idx.msk [tilespmem:v5+s20+$0x0], $0xffff;
	_ =	sdelay $0x4  }
0x76: {  	[tilespmem:s25+$0xEB80] =	vst v5;
	s25 =	simm.s32 $0x0  }
0x77: {  	v5 =	vld [tilespmem:s25+$0xEB80];
	_ =	sdelay $0x7  }
0x78: {  	s26 =	simm.s32 $0x10;
	s28 =	simm.s32 $0x80;
	v5 =	vld.idx.msk [tilespmem:v5+s17+$0x0], $0xffff  }
.LBB2_15:
0x79: {  	p0 =	sne.s32 s28, $0x13840;
	v6 =	vld [tilespmem:s26+$0xEB80];
	_ =	sdelay $0x3  }
.Ltmp7:
0x7a: {  	(pc) =	sbr.rel @p0 .LBB2_15-.Ltmp7, $2  }
0x7b: {  	[tilespmem:s25+$0x13A00] =	vst v5;
	s25 =	smov.u32 s26;
	_ =	sdelay $0x2  }
0x7c: {  	s26 =	sshra.s32 s28, $0x2;
	s28 =	sadd.s32 $0x40, s28;
	v5 =	vld.idx.msk [tilespmem:v6+s17+$0x0], $0xffff  }
0x7d: {  	v6 =	vld [tilespmem:s26+$0xEB80];
	_ =	sdelay $0x6  }
0x7e: {  	[tilespmem:s25+$0x13A00] =	vst v5  }
0x7f: {  	v5 =	vld.idx.msk [tilespmem:v6+s17+$0x0], $0xffff;
	_ =	sdelay $0x4  }
0x80: {  	s31 =	simm.s32 $0x0;
	[tilespmem:s26+$0x13A00] =	vst v5  }
0x81: {  	[tilespmem:s21], [sflag:$0x1] =	stream.linear.gather [hbm4b:s6+s31], $0x3100, $0x38;
	[tilespmem:$0x1EB00] =	vst v63  }
0x82: {  	_ =	swait.ge [sflag:s16], $0x3100  }
0x83: {  	[sflag:s16] =	ssyncset.done $0x0  }
0x84: {  	s25 =	simm.s32 $0x0;
	[sflag:s16] =	ssyncadd.s32 $0xFFFFCF00  }
0x85: {  	v5 =	vld [tilespmem:s25+$0x18900];
	_ =	sdelay $0x7  }
0x86: {  	s28 =	simm.s32 $0x80;
	s26 =	simm.s32 $0x10;
	v5 =	vld.idx.msk [tilespmem:v5+s22+$0x0], $0xffff  }
.LBB2_17:
0x87: {  	p0 =	sne.s32 s28, $0xC3C0;
	v6 =	vld [tilespmem:s26+$0x18900];
	_ =	sdelay $0x3  }
.Ltmp8:
0x88: {  	(pc) =	sbr.rel @p0 .LBB2_17-.Ltmp8, $2  }
0x89: {  	[tilespmem:s25+$0x1BA00] =	vst v5;
	s25 =	smov.u32 s26;
	_ =	sdelay $0x2  }
0x8a: {  	s26 =	sshra.s32 s28, $0x2;
	s28 =	sadd.s32 $0x40, s28;
	v5 =	vld.idx.msk [tilespmem:v6+s22+$0x0], $0xffff  }
0x8b: {  	v6 =	vld [tilespmem:s26+$0x18900];
	_ =	sdelay $0x6  }
0x8c: {  	[tilespmem:s25+$0x1BA00] =	vst v5  }
0x8d: {  	v5 =	vld.idx.msk [tilespmem:v6+s22+$0x0], $0xffff;
	_ =	sdelay $0x4  }
0x8e: {  	s31 =	simm.s32 $0x0;
	[tilespmem:s26+$0x1BA00] =	vst v5  }
0x8f: {  	[hbm4b:s7+s31] =	stream.linear.scatter [tilespmem:s23], [sflag:$0x1], $0x3100, $0x38;
	[tilespmem:$0x1EB00] =	vst v63  }
0x90: {  	_ =	swait.ge [sflag:s16], $0x3100  }
0x91: {  	[sflag:s16] =	ssyncset.done $0x0  }
0x92: {  	[sflag:s16] =	ssyncadd.s32 $0xFFFFCF00  }
0x93: {  	[tilespmem:s21], [sflag:$0x1] =	stream.linear.gather [hbm4b:s8+s31], $0x3100, $0x38;
	[tilespmem:$0x1EB00] =	vst v63  }
0x94: {  	_ =	swait.ge [sflag:s16], $0x3100  }
0x95: {  	[sflag:s16] =	ssyncset.done $0x0  }
0x96: {  	s25 =	simm.s32 $0x0;
	[sflag:s16] =	ssyncadd.s32 $0xFFFFCF00  }
0x97: {  	v5 =	vld [tilespmem:s25+$0x18900];
	_ =	sdelay $0x7  }
0x98: {  	s28 =	simm.s32 $0x80;
	s26 =	simm.s32 $0x10;
	v5 =	vld.idx.msk [tilespmem:v5+s22+$0x0], $0xffff  }
.LBB2_19:
0x99: {  	p0 =	sne.s32 s28, $0xC3C0;
	v6 =	vld [tilespmem:s26+$0x18900];
	_ =	sdelay $0x3  }
.Ltmp9:
0x9a: {  	(pc) =	sbr.rel @p0 .LBB2_19-.Ltmp9, $2  }
0x9b: {  	[tilespmem:s25+$0x1BA00] =	vst v5;
	s25 =	smov.u32 s26;
	_ =	sdelay $0x2  }
0x9c: {  	s26 =	sshra.s32 s28, $0x2;
	s28 =	sadd.s32 $0x40, s28;
	v5 =	vld.idx.msk [tilespmem:v6+s22+$0x0], $0xffff  }
0x9d: {  	v6 =	vld [tilespmem:s26+$0x18900];
	_ =	sdelay $0x6  }
0x9e: {  	[tilespmem:s25+$0x1BA00] =	vst v5  }
0x9f: {  	v5 =	vld.idx.msk [tilespmem:v6+s22+$0x0], $0xffff;
	_ =	sdelay $0x4  }
0xa0: {  	s31 =	simm.s32 $0x0;
	[tilespmem:s26+$0x1BA00] =	vst v5  }
0xa1: {  	[hbm4b:s9+s31] =	stream.linear.scatter [tilespmem:s23], [sflag:$0x1], $0x3100, $0x38;
	[tilespmem:$0x1EB00] =	vst v63  }
0xa2: {  	_ =	swait.ge [sflag:s16], $0x3100  }
0xa3: {  	[sflag:s16] =	ssyncset.done $0x0  }
0xa4: {  	[sflag:s16] =	ssyncadd.s32 $0xFFFFCF00  }
0xa5: {  	[tilespmem:s21], [sflag:$0x1] =	stream.linear.gather [hbm4b:s10+s31], $0x3100, $0x38;
	[tilespmem:$0x1EB00] =	vst v63  }
0xa6: {  	_ =	swait.ge [sflag:s16], $0x3100  }
0xa7: {  	[sflag:s16] =	ssyncset.done $0x0  }
0xa8: {  	s25 =	simm.s32 $0x0;
	[sflag:s16] =	ssyncadd.s32 $0xFFFFCF00  }
0xa9: {  	v5 =	vld [tilespmem:s25+$0x18900];
	_ =	sdelay $0x7  }
0xaa: {  	s28 =	simm.s32 $0x80;
	s26 =	simm.s32 $0x10;
	v5 =	vld.idx.msk [tilespmem:v5+s22+$0x0], $0xffff  }
.LBB2_21:
0xab: {  	p0 =	sne.s32 s28, $0xC3C0;
	v6 =	vld [tilespmem:s26+$0x18900];
	_ =	sdelay $0x3  }
.Ltmp10:
0xac: {  	(pc) =	sbr.rel @p0 .LBB2_21-.Ltmp10, $2  }
0xad: {  	[tilespmem:s25+$0x1BA00] =	vst v5;
	s25 =	smov.u32 s26;
	_ =	sdelay $0x2  }
0xae: {  	s26 =	sshra.s32 s28, $0x2;
	s28 =	sadd.s32 $0x40, s28;
	v5 =	vld.idx.msk [tilespmem:v6+s22+$0x0], $0xffff  }
0xaf: {  	v6 =	vld [tilespmem:s26+$0x18900];
	_ =	sdelay $0x6  }
0xb0: {  	[tilespmem:s25+$0x1BA00] =	vst v5  }
0xb1: {  	v5 =	vld.idx.msk [tilespmem:v6+s22+$0x0], $0xffff;
	_ =	sdelay $0x4  }
0xb2: {  	s31 =	simm.s32 $0x0;
	[tilespmem:s26+$0x1BA00] =	vst v5  }
0xb3: {  	[hbm4b:s11+s31] =	stream.linear.scatter [tilespmem:s23], [sflag:$0x1], $0x3100, $0x38;
	[tilespmem:$0x1EB00] =	vst v63  }
0xb4: {  	_ =	swait.ge [sflag:s16], $0x3100  }
0xb5: {  	[sflag:s16] =	ssyncset.done $0x0  }
0xb6: {  	[sflag:s16] =	ssyncadd.s32 $0xFFFFCF00  }
0xb7: {  	[tilespmem:s21], [sflag:$0x1] =	stream.linear.gather [hbm4b:s12+s31], $0x3100, $0x38;
	[tilespmem:$0x1EB00] =	vst v63  }
0xb8: {  	_ =	swait.ge [sflag:s16], $0x3100  }
0xb9: {  	[sflag:s16] =	ssyncset.done $0x0  }
0xba: {  	s25 =	simm.s32 $0x0;
	[sflag:s16] =	ssyncadd.s32 $0xFFFFCF00  }
0xbb: {  	v5 =	vld [tilespmem:s25+$0x18900];
	_ =	sdelay $0x7  }
0xbc: {  	s28 =	simm.s32 $0x80;
	s26 =	simm.s32 $0x10;
	v5 =	vld.idx.msk [tilespmem:v5+s22+$0x0], $0xffff  }
.LBB2_23:
0xbd: {  	p0 =	sne.s32 s28, $0xC3C0;
	v6 =	vld [tilespmem:s26+$0x18900];
	_ =	sdelay $0x3  }
.Ltmp11:
0xbe: {  	(pc) =	sbr.rel @p0 .LBB2_23-.Ltmp11, $2  }
0xbf: {  	[tilespmem:s25+$0x1BA00] =	vst v5;
	s25 =	smov.u32 s26;
	_ =	sdelay $0x2  }
0xc0: {  	s26 =	sshra.s32 s28, $0x2;
	s28 =	sadd.s32 $0x40, s28;
	v5 =	vld.idx.msk [tilespmem:v6+s22+$0x0], $0xffff  }
0xc1: {  	v6 =	vld [tilespmem:s26+$0x18900];
	_ =	sdelay $0x6  }
0xc2: {  	[tilespmem:s25+$0x1BA00] =	vst v5  }
0xc3: {  	v5 =	vld.idx.msk [tilespmem:v6+s22+$0x0], $0xffff;
	_ =	sdelay $0x2  }
0xc4: {  	s24 =	sadd.s32 $0x1, s24  }
0xc5: {  	p0 =	sne.s32 s24, s15  }
.Ltmp12:
0xc6: {  	[tilespmem:s26+$0x1BA00] =	vst v5;
	(pc) =	sbr.rel @p0 .LBB2_2-.Ltmp12, $4  }
0xc7: {  	[hbm4b:s13+s2] =	stream.linear.scatter [tilespmem:s23], [sflag:$0x1], $0x3100, $0x38;
	[tilespmem:$0x1EB00] =	vst v63  }
0xc8: {  	_ =	swait.ge [sflag:s16], $0x3100  }
0xc9: {  	[sflag:s16] =	ssyncset.done $0x0  }
0xca: {  	[sflag:s16] =	ssyncadd.s32 $0xFFFFCF00  }
.LBB2_25:
0xcb: {  	_ =	sfence.sel $0x180000  }
0xcc: {  	[bflag:$0x0] =	sbarrier.arrive $0xFFFF  }
0xcd: {  	p0 =	sne.s32 s1, $0x0;
	_ =	strace $0x90000047  }
0xce: {  	s0 =	sadd.s32 @!p0 $0x100000, s0;
	[bflag:$0x2] =	sbarrier.arrive $0xFFFF  }
0xcf: {  	[sflag:s0] =	ssyncadd.tile.s32 @!p0 $0x1;
	_ =	shalt  }
.Lfunc_end2:
_tile_overlayer_lowered:
.L_overlay_start_2:
0xd0: {  	(tag) =	ssettag $0x2  }
0xd1: {  	s0 =	rddreg [dreg:$0x0];
	s2 =	stileid.u32  }
0xd2: {  	s1 =	rddreg [dreg:$0x1];
	p0 =	sne.s32 s2, $0x0  }
0xd3: {  	s3 =	rddreg [dreg:$0x2];
	[bflag:$0x3] =	sbarrier.arrive $0xFFFF;
	s2 =	simm.s32 @!p0 $0x1C01  }
0xd4: {  	[timem:s3], [sflag:s2] =	dma.local @!p0 [hbm:s0], s1  }
0xd5: {  	s0 =	simm.s32 @!p0 $0x1  }
0xd6: {  	_ =	swait.ge @!p0 [sflag:s0], s1  }
0xd7: {  	s1 =	ssub.s32 @!p0 $0x0, s1;
	[sflag:s0] =	ssyncset.done @!p0 $0x0  }
0xd8: {  	[sflag:s0] =	ssyncadd.s32 @!p0 s1  }
0xd9: {  	[bflag:$0x3] =	sbarrier.arrive $0xFFFF  }
0xda: {  	_ =	shalt  }

</sc_bundles>
